<compile_context>
chip_gen: v7x
topology: tpu7x:2x2x1
jax: 0.10.2.dev20260603
libtpu: 0.0.44.dev20260713+nightly
codegen_flags: <defaults>
</compile_context>

<pallas_src>
import functools

import jax
import jax.numpy as jnp
from jax import lax
from jax.experimental import pallas as pl
from jax.experimental.pallas import tpu as pltpu
from jax.experimental.pallas import tpu_sc as plsc

N = 10000
D = 512
G = 2048

NC = 2
NS = 16
QW = 128
SUB = 80
NCHUNK = N // SUB
NJ = NCHUNK // NS
NREM = NCHUNK - NJ * NS
ROWS_PER_SUB = G // NS


def _sc_segment_sums(x, idx2d, ones_in):
  mesh = plsc.VectorSubcoreMesh(core_axis_name="c", subcore_axis_name="s")

  @functools.partial(
      pl.kernel,
      out_type=(
          jax.ShapeDtypeStruct((4 * G, QW), jnp.float32),
          jax.ShapeDtypeStruct((NC * G, 16), jnp.float32),
      ),
      mesh=mesh,
      scratch_types=[
          pltpu.VMEM((SUB, QW), jnp.float32),
          pltpu.VMEM((SUB, QW), jnp.float32),
          pltpu.VMEM((SUB, 16), jnp.float32),
          [pltpu.VMEM((SUB,), jnp.int32) for _ in range(NJ + 1)],
          pltpu.VMEM_SHARED((G, QW), jnp.float32),
          pltpu.VMEM_SHARED((G, QW), jnp.float32),
          pltpu.VMEM_SHARED((G, 16), jnp.float32),
      ],
  )
  def sc_kernel(x_hbm, idx_hbm, ones_hbm, sums_out, counts_out,
                xbuf0, xbuf1, ones, idxbuf, acc0, acc1, scnt):
    c = lax.axis_index("c")
    s = lax.axis_index("s")

    def _zrow(i, _):
      def _zcol(j, _):
        xbuf0[i, pl.ds(j * 16, 16)] = jnp.zeros((16,), jnp.float32)
        return 0
      lax.fori_loop(0, QW // 16, _zcol, 0)
      ones[i, :] = jnp.zeros((16,), jnp.float32)
      return 0

    lax.fori_loop(0, SUB, _zrow, 0)

    base = s * ROWS_PER_SUB
    rem = ROWS_PER_SUB - SUB
    for acc in (acc0, acc1):
      pltpu.sync_copy(xbuf0, acc.at[pl.ds(base, SUB), :])
      pltpu.sync_copy(xbuf0.at[pl.ds(0, rem), :],
                      acc.at[pl.ds(base + SUB, rem), :])
    pltpu.sync_copy(ones, scnt.at[pl.ds(base, SUB), :])
    pltpu.sync_copy(ones.at[pl.ds(0, rem), :],
                    scnt.at[pl.ds(base + SUB, rem), :])

    plsc.subcore_barrier()

    for j in range(NJ):
      pltpu.sync_copy(idx_hbm.at[j * NS + s], idxbuf[j])

    @pl.when(s < NREM)
    def _():
      pltpu.sync_copy(idx_hbm.at[NJ * NS + s], idxbuf[NJ])

    for j in range(NJ):
      r0 = (j * NS + s) * SUB
      pltpu.sync_copy(x_hbm.at[pl.ds(r0, SUB), pl.ds((2 * c) * QW, QW)],
                      xbuf0)
      pltpu.sync_copy(x_hbm.at[pl.ds(r0, SUB), pl.ds((2 * c + 1) * QW, QW)],
                      xbuf1)
      pltpu.sync_copy(ones_hbm, ones)
      pltpu.sync_copy(xbuf0, acc0.at[idxbuf[j]], add=True)
      pltpu.sync_copy(xbuf1, acc1.at[idxbuf[j]], add=True)
      pltpu.sync_copy(ones, scnt.at[idxbuf[j]], add=True)

    @pl.when(s < NREM)
    def _():
      r0 = (NJ * NS + s) * SUB
      pltpu.sync_copy(x_hbm.at[pl.ds(r0, SUB), pl.ds((2 * c) * QW, QW)],
                      xbuf0)
      pltpu.sync_copy(x_hbm.at[pl.ds(r0, SUB), pl.ds((2 * c + 1) * QW, QW)],
                      xbuf1)
      pltpu.sync_copy(ones_hbm, ones)
      pltpu.sync_copy(xbuf0, acc0.at[idxbuf[NJ]], add=True)
      pltpu.sync_copy(xbuf1, acc1.at[idxbuf[NJ]], add=True)
      pltpu.sync_copy(ones, scnt.at[idxbuf[NJ]], add=True)

    plsc.subcore_barrier()

    pltpu.sync_copy(acc0.at[pl.ds(base, ROWS_PER_SUB), :],
                    sums_out.at[pl.ds((2 * c) * G + base, ROWS_PER_SUB), :])
    pltpu.sync_copy(acc1.at[pl.ds(base, ROWS_PER_SUB), :],
                    sums_out.at[pl.ds((2 * c + 1) * G + base, ROWS_PER_SUB), :])
    pltpu.sync_copy(scnt.at[pl.ds(base, ROWS_PER_SUB), :],
                    counts_out.at[pl.ds(c * G + base, ROWS_PER_SUB), :])

  return sc_kernel(x, idx2d, ones_in)


def _tc_pool_matmul_body(s0_ref, s1_ref, s2_ref, s3_ref, cnt_ref, w_ref,
                         o_ref):
  sums = jnp.concatenate(
      [s0_ref[...], s1_ref[...], s2_ref[...], s3_ref[...]], axis=1)
  cnt = cnt_ref[...][:, 0:1]
  pooled = sums / jnp.maximum(cnt, 1.0)
  o_ref[...] = jnp.dot(pooled, w_ref[...], preferred_element_type=jnp.float32)


def _tc_pool_matmul(sums, counts, weight):
  blk = 256
  nblk = G // blk
  qspecs = [
      pl.BlockSpec((blk, QW),
                   functools.partial(lambda q, i: (i + q * nblk, 0), q))
      for q in range(4)
  ]
  return pl.pallas_call(
      _tc_pool_matmul_body,
      grid=(nblk,),
      in_specs=qspecs + [
          pl.BlockSpec((blk, 16), lambda i: (i, 0)),
          pl.BlockSpec((D, D), lambda i: (0, 0)),
      ],
      out_specs=pl.BlockSpec((blk, D), lambda i: (i, 0)),
      out_shape=jax.ShapeDtypeStruct((G, D), jnp.float32),
  )(sums, sums, sums, sums, counts, weight)


def kernel(x, batch, weight):
  batch = batch.astype(jnp.int32)
  idx2d = batch.reshape(NCHUNK, SUB)
  ones_in = jnp.ones((SUB, 16), jnp.float32)
  sums, counts = _sc_segment_sums(x, idx2d, ones_in)
  return _tc_pool_matmul(sums, counts, weight)

# --- scband reference (transcript-rebuilt; emitter-appended) ---
"""Pipeline reference for scband-meta-pool-43490838839341 (READ-ONLY COPY).

The authoritative reference and input builder live on the scoring server;
editing this copy changes nothing except your own understanding.
"""

import jax, jax.numpy as jnp
import numpy as np

N = 10000
D = 512
G = 2048

def setup_inputs(seed: int = 0) -> dict:
    key = jax.random.key(seed)
    k1, k2, k3 = jax.random.split(key, 3)
    x = jax.random.normal(k1, (N, D), dtype=jnp.float32)
    batch = jnp.sort(jax.random.randint(k2, (N,), 0, G).astype(jnp.int64))
    limit = float(np.sqrt(6.0 / (D + D)))
    weight = jax.random.uniform(k3, (D, D), minval=-limit, maxval=limit, dtype=jnp.float32)
    return {"x": x, "batch": batch, "weight": weight}

def reference(x, batch, weight):
    # global_mean_pool: segment mean of node features by graph id
    sums = jax.ops.segment_sum(x, batch, num_segments=G)
    counts = jax.ops.segment_sum(jnp.ones((x.shape[0],), dtype=x.dtype), batch, num_segments=G)
    pooled_emb = sums / jnp.clip(counts, 1.0)[:, None]
    # graph_emb = pooled_emb @ weight
    graph_emb = jnp.matmul(pooled_emb, weight)
    return graph_emb

if __name__ == "__main__":
    import jax
    _d = setup_inputs()
    print(jax.jit(kernel)(*tuple(_d.values())))

</pallas_src>

<mosaic_0001>
#map = affine_map<(d0, d1) -> (0, 0)>
module attributes {stable_mosaic.version = 14 : i64} {
  func.func @sc_kernel(%arg0: i32, %arg1: i32, %arg2: memref<10000x512xf32, #tpu.memory_space<hbm>>, %arg3: memref<125x80xi32, #tpu.memory_space<hbm>>, %arg4: memref<80x16xf32, #tpu.memory_space<hbm>>, %arg5: memref<8192x128xf32, #tpu.memory_space<hbm>>, %arg6: memref<4096x16xf32, #tpu.memory_space<hbm>>, %arg7: memref<80x128xf32, #tpu.memory_space<vmem>>, %arg8: memref<80x128xf32, #tpu.memory_space<vmem>>, %arg9: memref<80x16xf32, #tpu.memory_space<vmem>>, %arg10: memref<80xi32, #tpu.memory_space<vmem>>, %arg11: memref<80xi32, #tpu.memory_space<vmem>>, %arg12: memref<80xi32, #tpu.memory_space<vmem>>, %arg13: memref<80xi32, #tpu.memory_space<vmem>>, %arg14: memref<80xi32, #tpu.memory_space<vmem>>, %arg15: memref<80xi32, #tpu.memory_space<vmem>>, %arg16: memref<80xi32, #tpu.memory_space<vmem>>, %arg17: memref<80xi32, #tpu.memory_space<vmem>>, %arg18: memref<2048x128xf32, #tpu.memory_space<vmem_shared>>, %arg19: memref<2048x128xf32, #tpu.memory_space<vmem_shared>>, %arg20: memref<2048x16xf32, #tpu.memory_space<vmem_shared>>) attributes {dimension_semantics = [#tpu.dimension_semantics<core_parallel>, #tpu.dimension_semantics<subcore_parallel>], iteration_bounds = array<i64: 2, 16>, scalar_prefetch = 0 : i64, scratch_operands = 14 : i64, tpu.core_type = #tpu.core_type<sc_vector_subcore>, window_params = [{transform_indices = #map}, {transform_indices = #map}, {transform_indices = #map}, {transform_indices = #map}, {transform_indices = #map}]} {
    %scan3A = arith.constant 0 : i32
    %scan3A_0 = arith.constant 0 : i32
    %scan3A_1 = arith.constant 80 : i32
    %scan3A_2 = arith.addi %scan3A_0, %scan3A_1 : i32
    %scan3A_3 = arith.constant 1 : i32
    %scan3A_4 = scf.for %scan3A_147 = %scan3A_0 to %scan3A_2 step %scan3A_3 iter_args(%scan3A_148 = %scan3A) -> (i32)  : i32 {
      %scan3A_149 = arith.constant 0 : i32
      %scan3A_150 = arith.constant 0 : i32
      %scan3A_151 = arith.constant 8 : i32
      %scan3A_152 = arith.addi %scan3A_150, %scan3A_151 : i32
      %scan3A_153 = arith.constant 1 : i32
      %scan3A_154 = scf.for %scan3A_162 = %scan3A_150 to %scan3A_152 step %scan3A_153 iter_args(%scan3A_163 = %scan3A_149) -> (i32)  : i32 {
        %broadcast_in_dim3A_164 = arith.constant 0.000000e+00 : f32
        %broadcast_in_dim3A_165 = vector.broadcast %broadcast_in_dim3A_164 : f32 to vector<16xf32>
        %mul3A_166 = arith.constant 16 : i32
        %mul3A_167 = arith.muli %scan3A_162, %mul3A_166 : i32
        %swap3A_168 = arith.index_cast %scan3A_147 : i32 to index
        %swap3A_169 = arith.index_cast %mul3A_167 : i32 to index
        %swap3A_170 = tpu.vector_load %arg7[%swap3A_168, %swap3A_169] {strides = array<i32>} : memref<80x128xf32, #tpu.memory_space<vmem>>, vector<1x16xf32>,
        %swap3A_171 = vector.shape_cast %swap3A_170 : vector<1x16xf32> to vector<16xf32>
        %swap3A_172 = vector.shape_cast %broadcast_in_dim3A_165 : vector<16xf32> to vector<1x16xf32>
        tpu.vector_store %arg7[%swap3A_168, %swap3A_169], %swap3A_172 {strides = array<i32>} : memref<80x128xf32, #tpu.memory_space<vmem>>, vector<1x16xf32>,
        %scan3A_173 = arith.constant 0 : i32
        scf.yield %scan3A_173 : i32
      }
      %scan3A_155 = arith.constant 8 : i32
      %broadcast_in_dim3A = arith.constant 0.000000e+00 : f32
      %broadcast_in_dim3A_156 = vector.broadcast %broadcast_in_dim3A : f32 to vector<16xf32>
      %swap3A = arith.index_cast %scan3A_147 : i32 to index
      %swap3A_157 = arith.constant 0 : index
      %swap3A_158 = tpu.vector_load %arg9[%swap3A, %swap3A_157] {strides = array<i32>} : memref<80x16xf32, #tpu.memory_space<vmem>>, vector<1x16xf32>,
      %swap3A_159 = vector.shape_cast %swap3A_158 : vector<1x16xf32> to vector<16xf32>
      %swap3A_160 = vector.shape_cast %broadcast_in_dim3A_156 : vector<16xf32> to vector<1x16xf32>
      tpu.vector_store %arg9[%swap3A, %swap3A_157], %swap3A_160 {strides = array<i32>} : memref<80x16xf32, #tpu.memory_space<vmem>>, vector<1x16xf32>,
      %scan3A_161 = arith.constant 0 : i32
      scf.yield %scan3A_161 : i32
    }
    %scan3A_5 = arith.constant 80 : i32
    %mul3A = arith.constant 128 : i32
    %mul3A_6 = arith.muli %arg1, %mul3A : i32
    "tpu.region"() ({
      %run_scoped3A = tpu.sem_alloc : memref<!tpu.dma_semaphore, #tpu.memory_space<semaphore_mem>>
      %dma_start3A = arith.constant 0 : i32
      %dma_start3A_147 = tpu.memref_slice %arg18[%mul3A_6, %dma_start3A] : memref<2048x128xf32, #tpu.memory_space<vmem_shared>> -> memref<80x128xf32, #tpu.memory_space<vmem_shared>>
      %dma_start3A_148 = arith.constant 0 : i32
      %dma_start3A_149 = tpu.memref_slice %arg18[%mul3A_6, %dma_start3A_148] : memref<2048x128xf32, #tpu.memory_space<vmem_shared>> -> memref<80x128xf32, #tpu.memory_space<vmem_shared>>
      tpu.enqueue_dma source(%arg7 : memref<80x128xf32, #tpu.memory_space<vmem>>) target(%dma_start3A_149 : memref<80x128xf32, #tpu.memory_space<vmem_shared>>) target_semaphore(%run_scoped3A : memref<!tpu.dma_semaphore, #tpu.memory_space<semaphore_mem>>)
      %dma_wait3A = arith.constant 0 : i32
      %dma_wait3A_150 = tpu.memref_slice %arg18[%mul3A_6, %dma_wait3A] : memref<2048x128xf32, #tpu.memory_space<vmem_shared>> -> memref<80x128xf32, #tpu.memory_space<vmem_shared>>
      %dma_wait3A_151 = arith.constant 0 : i32
      %dma_wait3A_152 = tpu.memref_slice %arg18[%mul3A_6, %dma_wait3A_151] : memref<2048x128xf32, #tpu.memory_space<vmem_shared>> -> memref<80x128xf32, #tpu.memory_space<vmem_shared>>
      tpu.wait_dma2 semaphore(%run_scoped3A : memref<!tpu.dma_semaphore, #tpu.memory_space<semaphore_mem>>) src(%arg7 : memref<80x128xf32, #tpu.memory_space<vmem>>) dst(%dma_wait3A_152 : memref<80x128xf32, #tpu.memory_space<vmem_shared>>)
      tpu.yield
    }) : () -> ()
    %add3A = arith.constant 80 : i32
    %add3A_7 = arith.addi %mul3A_6, %add3A : i32
    "tpu.region"() ({
      %run_scoped3A = tpu.sem_alloc : memref<!tpu.dma_semaphore, #tpu.memory_space<semaphore_mem>>
      %dma_start3A = arith.constant 0 : i32
      %dma_start3A_147 = arith.constant 0 : i32
      %dma_start3A_148 = tpu.memref_slice %arg7[%dma_start3A, %dma_start3A_147] : memref<80x128xf32, #tpu.memory_space<vmem>> -> memref<48x128xf32, #tpu.memory_space<vmem>>
      %dma_start3A_149 = arith.constant 0 : i32
      %dma_start3A_150 = tpu.memref_slice %arg18[%add3A_7, %dma_start3A_149] : memref<2048x128xf32, #tpu.memory_space<vmem_shared>> -> memref<48x128xf32, #tpu.memory_space<vmem_shared>>
      %dma_start3A_151 = arith.constant 0 : i32
      %dma_start3A_152 = tpu.memref_slice %arg18[%add3A_7, %dma_start3A_151] : memref<2048x128xf32, #tpu.memory_space<vmem_shared>> -> memref<48x128xf32, #tpu.memory_space<vmem_shared>>
      %dma_start3A_153 = arith.constant 0 : i32
      %dma_start3A_154 = arith.constant 0 : i32
      %dma_start3A_155 = tpu.memref_slice %arg7[%dma_start3A_153, %dma_start3A_154] : memref<80x128xf32, #tpu.memory_space<vmem>> -> memref<48x128xf32, #tpu.memory_space<vmem>>
      tpu.enqueue_dma source(%dma_start3A_155 : memref<48x128xf32, #tpu.memory_space<vmem>>) target(%dma_start3A_152 : memref<48x128xf32, #tpu.memory_space<vmem_shared>>) target_semaphore(%run_scoped3A : memref<!tpu.dma_semaphore, #tpu.memory_space<semaphore_mem>>)
      %dma_wait3A = arith.constant 0 : i32
      %dma_wait3A_156 = arith.constant 0 : i32
      %dma_wait3A_157 = tpu.memref_slice %arg7[%dma_wait3A, %dma_wait3A_156] : memref<80x128xf32, #tpu.memory_space<vmem>> -> memref<48x128xf32, #tpu.memory_space<vmem>>
      %dma_wait3A_158 = arith.constant 0 : i32
      %dma_wait3A_159 = tpu.memref_slice %arg18[%add3A_7, %dma_wait3A_158] : memref<2048x128xf32, #tpu.memory_space<vmem_shared>> -> memref<48x128xf32, #tpu.memory_space<vmem_shared>>
      %dma_wait3A_160 = arith.constant 0 : i32
      %dma_wait3A_161 = tpu.memref_slice %arg18[%add3A_7, %dma_wait3A_160] : memref<2048x128xf32, #tpu.memory_space<vmem_shared>> -> memref<48x128xf32, #tpu.memory_space<vmem_shared>>
      %dma_wait3A_162 = arith.constant 0 : i32
      %dma_wait3A_163 = arith.constant 0 : i32
      %dma_wait3A_164 = tpu.memref_slice %arg7[%dma_wait3A_162, %dma_wait3A_163] : memref<80x128xf32, #tpu.memory_space<vmem>> -> memref<48x128xf32, #tpu.memory_space<vmem>>
      tpu.wait_dma2 semaphore(%run_scoped3A : memref<!tpu.dma_semaphore, #tpu.memory_space<semaphore_mem>>) src(%dma_wait3A_164 : memref<48x128xf32, #tpu.memory_space<vmem>>) dst(%dma_wait3A_161 : memref<48x128xf32, #tpu.memory_space<vmem_shared>>)
      tpu.yield
    }) : () -> ()
    "tpu.region"() ({
      %run_scoped3A = tpu.sem_alloc : memref<!tpu.dma_semaphore, #tpu.memory_space<semaphore_mem>>
      %dma_start3A = arith.constant 0 : i32
      %dma_start3A_147 = tpu.memref_slice %arg19[%mul3A_6, %dma_start3A] : memref<2048x128xf32, #tpu.memory_space<vmem_shared>> -> memref<80x128xf32, #tpu.memory_space<vmem_shared>>
      %dma_start3A_148 = arith.constant 0 : i32
      %dma_start3A_149 = tpu.memref_slice %arg19[%mul3A_6, %dma_start3A_148] : memref<2048x128xf32, #tpu.memory_space<vmem_shared>> -> memref<80x128xf32, #tpu.memory_space<vmem_shared>>
      tpu.enqueue_dma source(%arg7 : memref<80x128xf32, #tpu.memory_space<vmem>>) target(%dma_start3A_149 : memref<80x128xf32, #tpu.memory_space<vmem_shared>>) target_semaphore(%run_scoped3A : memref<!tpu.dma_semaphore, #tpu.memory_space<semaphore_mem>>)
      %dma_wait3A = arith.constant 0 : i32
      %dma_wait3A_150 = tpu.memref_slice %arg19[%mul3A_6, %dma_wait3A] : memref<2048x128xf32, #tpu.memory_space<vmem_shared>> -> memref<80x128xf32, #tpu.memory_space<vmem_shared>>
      %dma_wait3A_151 = arith.constant 0 : i32
      %dma_wait3A_152 = tpu.memref_slice %arg19[%mul3A_6, %dma_wait3A_151] : memref<2048x128xf32, #tpu.memory_space<vmem_shared>> -> memref<80x128xf32, #tpu.memory_space<vmem_shared>>
      tpu.wait_dma2 semaphore(%run_scoped3A : memref<!tpu.dma_semaphore, #tpu.memory_space<semaphore_mem>>) src(%arg7 : memref<80x128xf32, #tpu.memory_space<vmem>>) dst(%dma_wait3A_152 : memref<80x128xf32, #tpu.memory_space<vmem_shared>>)
      tpu.yield
    }) : () -> ()
    %add3A_8 = arith.constant 80 : i32
    %add3A_9 = arith.addi %mul3A_6, %add3A_8 : i32
    "tpu.region"() ({
      %run_scoped3A = tpu.sem_alloc : memref<!tpu.dma_semaphore, #tpu.memory_space<semaphore_mem>>
      %dma_start3A = arith.constant 0 : i32
      %dma_start3A_147 = arith.constant 0 : i32
      %dma_start3A_148 = tpu.memref_slice %arg7[%dma_start3A, %dma_start3A_147] : memref<80x128xf32, #tpu.memory_space<vmem>> -> memref<48x128xf32, #tpu.memory_space<vmem>>
      %dma_start3A_149 = arith.constant 0 : i32
      %dma_start3A_150 = tpu.memref_slice %arg19[%add3A_9, %dma_start3A_149] : memref<2048x128xf32, #tpu.memory_space<vmem_shared>> -> memref<48x128xf32, #tpu.memory_space<vmem_shared>>
      %dma_start3A_151 = arith.constant 0 : i32
      %dma_start3A_152 = tpu.memref_slice %arg19[%add3A_9, %dma_start3A_151] : memref<2048x128xf32, #tpu.memory_space<vmem_shared>> -> memref<48x128xf32, #tpu.memory_space<vmem_shared>>
      %dma_start3A_153 = arith.constant 0 : i32
      %dma_start3A_154 = arith.constant 0 : i32
      %dma_start3A_155 = tpu.memref_slice %arg7[%dma_start3A_153, %dma_start3A_154] : memref<80x128xf32, #tpu.memory_space<vmem>> -> memref<48x128xf32, #tpu.memory_space<vmem>>
      tpu.enqueue_dma source(%dma_start3A_155 : memref<48x128xf32, #tpu.memory_space<vmem>>) target(%dma_start3A_152 : memref<48x128xf32, #tpu.memory_space<vmem_shared>>) target_semaphore(%run_scoped3A : memref<!tpu.dma_semaphore, #tpu.memory_space<semaphore_mem>>)
      %dma_wait3A = arith.constant 0 : i32
      %dma_wait3A_156 = arith.constant 0 : i32
      %dma_wait3A_157 = tpu.memref_slice %arg7[%dma_wait3A, %dma_wait3A_156] : memref<80x128xf32, #tpu.memory_space<vmem>> -> memref<48x128xf32, #tpu.memory_space<vmem>>
      %dma_wait3A_158 = arith.constant 0 : i32
      %dma_wait3A_159 = tpu.memref_slice %arg19[%add3A_9, %dma_wait3A_158] : memref<2048x128xf32, #tpu.memory_space<vmem_shared>> -> memref<48x128xf32, #tpu.memory_space<vmem_shared>>
      %dma_wait3A_160 = arith.constant 0 : i32
      %dma_wait3A_161 = tpu.memref_slice %arg19[%add3A_9, %dma_wait3A_160] : memref<2048x128xf32, #tpu.memory_space<vmem_shared>> -> memref<48x128xf32, #tpu.memory_space<vmem_shared>>
      %dma_wait3A_162 = arith.constant 0 : i32
      %dma_wait3A_163 = arith.constant 0 : i32
      %dma_wait3A_164 = tpu.memref_slice %arg7[%dma_wait3A_162, %dma_wait3A_163] : memref<80x128xf32, #tpu.memory_space<vmem>> -> memref<48x128xf32, #tpu.memory_space<vmem>>
      tpu.wait_dma2 semaphore(%run_scoped3A : memref<!tpu.dma_semaphore, #tpu.memory_space<semaphore_mem>>) src(%dma_wait3A_164 : memref<48x128xf32, #tpu.memory_space<vmem>>) dst(%dma_wait3A_161 : memref<48x128xf32, #tpu.memory_space<vmem_shared>>)
      tpu.yield
    }) : () -> ()
    "tpu.region"() ({
      %run_scoped3A = tpu.sem_alloc : memref<!tpu.dma_semaphore, #tpu.memory_space<semaphore_mem>>
      %dma_start3A = arith.constant 0 : i32
      %dma_start3A_147 = tpu.memref_slice %arg20[%mul3A_6, %dma_start3A] : memref<2048x16xf32, #tpu.memory_space<vmem_shared>> -> memref<80x16xf32, #tpu.memory_space<vmem_shared>>
      %dma_start3A_148 = arith.constant 0 : i32
      %dma_start3A_149 = tpu.memref_slice %arg20[%mul3A_6, %dma_start3A_148] : memref<2048x16xf32, #tpu.memory_space<vmem_shared>> -> memref<80x16xf32, #tpu.memory_space<vmem_shared>>
      tpu.enqueue_dma source(%arg9 : memref<80x16xf32, #tpu.memory_space<vmem>>) target(%dma_start3A_149 : memref<80x16xf32, #tpu.memory_space<vmem_shared>>) target_semaphore(%run_scoped3A : memref<!tpu.dma_semaphore, #tpu.memory_space<semaphore_mem>>)
      %dma_wait3A = arith.constant 0 : i32
      %dma_wait3A_150 = tpu.memref_slice %arg20[%mul3A_6, %dma_wait3A] : memref<2048x16xf32, #tpu.memory_space<vmem_shared>> -> memref<80x16xf32, #tpu.memory_space<vmem_shared>>
      %dma_wait3A_151 = arith.constant 0 : i32
      %dma_wait3A_152 = tpu.memref_slice %arg20[%mul3A_6, %dma_wait3A_151] : memref<2048x16xf32, #tpu.memory_space<vmem_shared>> -> memref<80x16xf32, #tpu.memory_space<vmem_shared>>
      tpu.wait_dma2 semaphore(%run_scoped3A : memref<!tpu.dma_semaphore, #tpu.memory_space<semaphore_mem>>) src(%arg9 : memref<80x16xf32, #tpu.memory_space<vmem>>) dst(%dma_wait3A_152 : memref<80x16xf32, #tpu.memory_space<vmem_shared>>)
      tpu.yield
    }) : () -> ()
    %add3A_10 = arith.constant 80 : i32
    %add3A_11 = arith.addi %mul3A_6, %add3A_10 : i32
    "tpu.region"() ({
      %run_scoped3A = tpu.sem_alloc : memref<!tpu.dma_semaphore, #tpu.memory_space<semaphore_mem>>
      %dma_start3A = arith.constant 0 : i32
      %dma_start3A_147 = arith.constant 0 : i32
      %dma_start3A_148 = tpu.memref_slice %arg9[%dma_start3A, %dma_start3A_147] : memref<80x16xf32, #tpu.memory_space<vmem>> -> memref<48x16xf32, #tpu.memory_space<vmem>>
      %dma_start3A_149 = arith.constant 0 : i32
      %dma_start3A_150 = tpu.memref_slice %arg20[%add3A_11, %dma_start3A_149] : memref<2048x16xf32, #tpu.memory_space<vmem_shared>> -> memref<48x16xf32, #tpu.memory_space<vmem_shared>>
      %dma_start3A_151 = arith.constant 0 : i32
      %dma_start3A_152 = tpu.memref_slice %arg20[%add3A_11, %dma_start3A_151] : memref<2048x16xf32, #tpu.memory_space<vmem_shared>> -> memref<48x16xf32, #tpu.memory_space<vmem_shared>>
      %dma_start3A_153 = arith.constant 0 : i32
      %dma_start3A_154 = arith.constant 0 : i32
      %dma_start3A_155 = tpu.memref_slice %arg9[%dma_start3A_153, %dma_start3A_154] : memref<80x16xf32, #tpu.memory_space<vmem>> -> memref<48x16xf32, #tpu.memory_space<vmem>>
      tpu.enqueue_dma source(%dma_start3A_155 : memref<48x16xf32, #tpu.memory_space<vmem>>) target(%dma_start3A_152 : memref<48x16xf32, #tpu.memory_space<vmem_shared>>) target_semaphore(%run_scoped3A : memref<!tpu.dma_semaphore, #tpu.memory_space<semaphore_mem>>)
      %dma_wait3A = arith.constant 0 : i32
      %dma_wait3A_156 = arith.constant 0 : i32
      %dma_wait3A_157 = tpu.memref_slice %arg9[%dma_wait3A, %dma_wait3A_156] : memref<80x16xf32, #tpu.memory_space<vmem>> -> memref<48x16xf32, #tpu.memory_space<vmem>>
      %dma_wait3A_158 = arith.constant 0 : i32
      %dma_wait3A_159 = tpu.memref_slice %arg20[%add3A_11, %dma_wait3A_158] : memref<2048x16xf32, #tpu.memory_space<vmem_shared>> -> memref<48x16xf32, #tpu.memory_space<vmem_shared>>
      %dma_wait3A_160 = arith.constant 0 : i32
      %dma_wait3A_161 = tpu.memref_slice %arg20[%add3A_11, %dma_wait3A_160] : memref<2048x16xf32, #tpu.memory_space<vmem_shared>> -> memref<48x16xf32, #tpu.memory_space<vmem_shared>>
      %dma_wait3A_162 = arith.constant 0 : i32
      %dma_wait3A_163 = arith.constant 0 : i32
      %dma_wait3A_164 = tpu.memref_slice %arg9[%dma_wait3A_162, %dma_wait3A_163] : memref<80x16xf32, #tpu.memory_space<vmem>> -> memref<48x16xf32, #tpu.memory_space<vmem>>
      tpu.wait_dma2 semaphore(%run_scoped3A : memref<!tpu.dma_semaphore, #tpu.memory_space<semaphore_mem>>) src(%dma_wait3A_164 : memref<48x16xf32, #tpu.memory_space<vmem>>) dst(%dma_wait3A_161 : memref<48x16xf32, #tpu.memory_space<vmem_shared>>)
      tpu.yield
    }) : () -> ()
    %barrier3A = arith.constant 0 : index
    tpu.barrier barrier_id(%barrier3A)
    %add3A_12 = arith.constant 0 : i32
    %add3A_13 = arith.addi %add3A_12, %arg1 : i32
    "tpu.region"() ({
      %run_scoped3A = tpu.sem_alloc : memref<!tpu.dma_semaphore, #tpu.memory_space<semaphore_mem>>
      %dma_start3A = arith.constant 0 : i32
      %dma_start3A_147 = tpu.memref_slice %arg3[%add3A_13, %dma_start3A] : memref<125x80xi32, #tpu.memory_space<hbm>> -> memref<1x80xi32, #tpu.memory_space<hbm>>
      %dma_start3A_148 = tpu.memref_squeeze %dma_start3A_147 : memref<1x80xi32, #tpu.memory_space<hbm>> -> memref<80xi32, #tpu.memory_space<hbm>>
      %dma_start3A_149 = arith.constant 0 : i32
      %dma_start3A_150 = tpu.memref_slice %arg3[%add3A_13, %dma_start3A_149] : memref<125x80xi32, #tpu.memory_space<hbm>> -> memref<1x80xi32, #tpu.memory_space<hbm>>
      %dma_start3A_151 = tpu.memref_squeeze %dma_start3A_150 : memref<1x80xi32, #tpu.memory_space<hbm>> -> memref<80xi32, #tpu.memory_space<hbm>>
      tpu.enqueue_dma source(%dma_start3A_151 : memref<80xi32, #tpu.memory_space<hbm>>) target(%arg10 : memref<80xi32, #tpu.memory_space<vmem>>) target_semaphore(%run_scoped3A : memref<!tpu.dma_semaphore, #tpu.memory_space<semaphore_mem>>)
      %dma_wait3A = arith.constant 0 : i32
      %dma_wait3A_152 = tpu.memref_slice %arg3[%add3A_13, %dma_wait3A] : memref<125x80xi32, #tpu.memory_space<hbm>> -> memref<1x80xi32, #tpu.memory_space<hbm>>
      %dma_wait3A_153 = tpu.memref_squeeze %dma_wait3A_152 : memref<1x80xi32, #tpu.memory_space<hbm>> -> memref<80xi32, #tpu.memory_space<hbm>>
      %dma_wait3A_154 = arith.constant 0 : i32
      %dma_wait3A_155 = tpu.memref_slice %arg3[%add3A_13, %dma_wait3A_154] : memref<125x80xi32, #tpu.memory_space<hbm>> -> memref<1x80xi32, #tpu.memory_space<hbm>>
      %dma_wait3A_156 = tpu.memref_squeeze %dma_wait3A_155 : memref<1x80xi32, #tpu.memory_space<hbm>> -> memref<80xi32, #tpu.memory_space<hbm>>
      tpu.wait_dma2 semaphore(%run_scoped3A : memref<!tpu.dma_semaphore, #tpu.memory_space<semaphore_mem>>) src(%dma_wait3A_156 : memref<80xi32, #tpu.memory_space<hbm>>) dst(%arg10 : memref<80xi32, #tpu.memory_space<vmem>>)
      tpu.yield
    }) : () -> ()
    %add3A_14 = arith.constant 16 : i32
    %add3A_15 = arith.addi %add3A_14, %arg1 : i32
    "tpu.region"() ({
      %run_scoped3A = tpu.sem_alloc : memref<!tpu.dma_semaphore, #tpu.memory_space<semaphore_mem>>
      %dma_start3A = arith.constant 0 : i32
      %dma_start3A_147 = tpu.memref_slice %arg3[%add3A_15, %dma_start3A] : memref<125x80xi32, #tpu.memory_space<hbm>> -> memref<1x80xi32, #tpu.memory_space<hbm>>
      %dma_start3A_148 = tpu.memref_squeeze %dma_start3A_147 : memref<1x80xi32, #tpu.memory_space<hbm>> -> memref<80xi32, #tpu.memory_space<hbm>>
      %dma_start3A_149 = arith.constant 0 : i32
      %dma_start3A_150 = tpu.memref_slice %arg3[%add3A_15, %dma_start3A_149] : memref<125x80xi32, #tpu.memory_space<hbm>> -> memref<1x80xi32, #tpu.memory_space<hbm>>
      %dma_start3A_151 = tpu.memref_squeeze %dma_start3A_150 : memref<1x80xi32, #tpu.memory_space<hbm>> -> memref<80xi32, #tpu.memory_space<hbm>>
      tpu.enqueue_dma source(%dma_start3A_151 : memref<80xi32, #tpu.memory_space<hbm>>) target(%arg11 : memref<80xi32, #tpu.memory_space<vmem>>) target_semaphore(%run_scoped3A : memref<!tpu.dma_semaphore, #tpu.memory_space<semaphore_mem>>)
      %dma_wait3A = arith.constant 0 : i32
      %dma_wait3A_152 = tpu.memref_slice %arg3[%add3A_15, %dma_wait3A] : memref<125x80xi32, #tpu.memory_space<hbm>> -> memref<1x80xi32, #tpu.memory_space<hbm>>
      %dma_wait3A_153 = tpu.memref_squeeze %dma_wait3A_152 : memref<1x80xi32, #tpu.memory_space<hbm>> -> memref<80xi32, #tpu.memory_space<hbm>>
      %dma_wait3A_154 = arith.constant 0 : i32
      %dma_wait3A_155 = tpu.memref_slice %arg3[%add3A_15, %dma_wait3A_154] : memref<125x80xi32, #tpu.memory_space<hbm>> -> memref<1x80xi32, #tpu.memory_space<hbm>>
      %dma_wait3A_156 = tpu.memref_squeeze %dma_wait3A_155 : memref<1x80xi32, #tpu.memory_space<hbm>> -> memref<80xi32, #tpu.memory_space<hbm>>
      tpu.wait_dma2 semaphore(%run_scoped3A : memref<!tpu.dma_semaphore, #tpu.memory_space<semaphore_mem>>) src(%dma_wait3A_156 : memref<80xi32, #tpu.memory_space<hbm>>) dst(%arg11 : memref<80xi32, #tpu.memory_space<vmem>>)
      tpu.yield
    }) : () -> ()
    %add3A_16 = arith.constant 32 : i32
    %add3A_17 = arith.addi %add3A_16, %arg1 : i32
    "tpu.region"() ({
      %run_scoped3A = tpu.sem_alloc : memref<!tpu.dma_semaphore, #tpu.memory_space<semaphore_mem>>
      %dma_start3A = arith.constant 0 : i32
      %dma_start3A_147 = tpu.memref_slice %arg3[%add3A_17, %dma_start3A] : memref<125x80xi32, #tpu.memory_space<hbm>> -> memref<1x80xi32, #tpu.memory_space<hbm>>
      %dma_start3A_148 = tpu.memref_squeeze %dma_start3A_147 : memref<1x80xi32, #tpu.memory_space<hbm>> -> memref<80xi32, #tpu.memory_space<hbm>>
      %dma_start3A_149 = arith.constant 0 : i32
      %dma_start3A_150 = tpu.memref_slice %arg3[%add3A_17, %dma_start3A_149] : memref<125x80xi32, #tpu.memory_space<hbm>> -> memref<1x80xi32, #tpu.memory_space<hbm>>
      %dma_start3A_151 = tpu.memref_squeeze %dma_start3A_150 : memref<1x80xi32, #tpu.memory_space<hbm>> -> memref<80xi32, #tpu.memory_space<hbm>>
      tpu.enqueue_dma source(%dma_start3A_151 : memref<80xi32, #tpu.memory_space<hbm>>) target(%arg12 : memref<80xi32, #tpu.memory_space<vmem>>) target_semaphore(%run_scoped3A : memref<!tpu.dma_semaphore, #tpu.memory_space<semaphore_mem>>)
      %dma_wait3A = arith.constant 0 : i32
      %dma_wait3A_152 = tpu.memref_slice %arg3[%add3A_17, %dma_wait3A] : memref<125x80xi32, #tpu.memory_space<hbm>> -> memref<1x80xi32, #tpu.memory_space<hbm>>
      %dma_wait3A_153 = tpu.memref_squeeze %dma_wait3A_152 : memref<1x80xi32, #tpu.memory_space<hbm>> -> memref<80xi32, #tpu.memory_space<hbm>>
      %dma_wait3A_154 = arith.constant 0 : i32
      %dma_wait3A_155 = tpu.memref_slice %arg3[%add3A_17, %dma_wait3A_154] : memref<125x80xi32, #tpu.memory_space<hbm>> -> memref<1x80xi32, #tpu.memory_space<hbm>>
      %dma_wait3A_156 = tpu.memref_squeeze %dma_wait3A_155 : memref<1x80xi32, #tpu.memory_space<hbm>> -> memref<80xi32, #tpu.memory_space<hbm>>
      tpu.wait_dma2 semaphore(%run_scoped3A : memref<!tpu.dma_semaphore, #tpu.memory_space<semaphore_mem>>) src(%dma_wait3A_156 : memref<80xi32, #tpu.memory_space<hbm>>) dst(%arg12 : memref<80xi32, #tpu.memory_space<vmem>>)
      tpu.yield
    }) : () -> ()
    %add3A_18 = arith.constant 48 : i32
    %add3A_19 = arith.addi %add3A_18, %arg1 : i32
    "tpu.region"() ({
      %run_scoped3A = tpu.sem_alloc : memref<!tpu.dma_semaphore, #tpu.memory_space<semaphore_mem>>
      %dma_start3A = arith.constant 0 : i32
      %dma_start3A_147 = tpu.memref_slice %arg3[%add3A_19, %dma_start3A] : memref<125x80xi32, #tpu.memory_space<hbm>> -> memref<1x80xi32, #tpu.memory_space<hbm>>
      %dma_start3A_148 = tpu.memref_squeeze %dma_start3A_147 : memref<1x80xi32, #tpu.memory_space<hbm>> -> memref<80xi32, #tpu.memory_space<hbm>>
      %dma_start3A_149 = arith.constant 0 : i32
      %dma_start3A_150 = tpu.memref_slice %arg3[%add3A_19, %dma_start3A_149] : memref<125x80xi32, #tpu.memory_space<hbm>> -> memref<1x80xi32, #tpu.memory_space<hbm>>
      %dma_start3A_151 = tpu.memref_squeeze %dma_start3A_150 : memref<1x80xi32, #tpu.memory_space<hbm>> -> memref<80xi32, #tpu.memory_space<hbm>>
      tpu.enqueue_dma source(%dma_start3A_151 : memref<80xi32, #tpu.memory_space<hbm>>) target(%arg13 : memref<80xi32, #tpu.memory_space<vmem>>) target_semaphore(%run_scoped3A : memref<!tpu.dma_semaphore, #tpu.memory_space<semaphore_mem>>)
      %dma_wait3A = arith.constant 0 : i32
      %dma_wait3A_152 = tpu.memref_slice %arg3[%add3A_19, %dma_wait3A] : memref<125x80xi32, #tpu.memory_space<hbm>> -> memref<1x80xi32, #tpu.memory_space<hbm>>
      %dma_wait3A_153 = tpu.memref_squeeze %dma_wait3A_152 : memref<1x80xi32, #tpu.memory_space<hbm>> -> memref<80xi32, #tpu.memory_space<hbm>>
      %dma_wait3A_154 = arith.constant 0 : i32
      %dma_wait3A_155 = tpu.memref_slice %arg3[%add3A_19, %dma_wait3A_154] : memref<125x80xi32, #tpu.memory_space<hbm>> -> memref<1x80xi32, #tpu.memory_space<hbm>>
      %dma_wait3A_156 = tpu.memref_squeeze %dma_wait3A_155 : memref<1x80xi32, #tpu.memory_space<hbm>> -> memref<80xi32, #tpu.memory_space<hbm>>
      tpu.wait_dma2 semaphore(%run_scoped3A : memref<!tpu.dma_semaphore, #tpu.memory_space<semaphore_mem>>) src(%dma_wait3A_156 : memref<80xi32, #tpu.memory_space<hbm>>) dst(%arg13 : memref<80xi32, #tpu.memory_space<vmem>>)
      tpu.yield
    }) : () -> ()
    %add3A_20 = arith.constant 64 : i32
    %add3A_21 = arith.addi %add3A_20, %arg1 : i32
    "tpu.region"() ({
      %run_scoped3A = tpu.sem_alloc : memref<!tpu.dma_semaphore, #tpu.memory_space<semaphore_mem>>
      %dma_start3A = arith.constant 0 : i32
      %dma_start3A_147 = tpu.memref_slice %arg3[%add3A_21, %dma_start3A] : memref<125x80xi32, #tpu.memory_space<hbm>> -> memref<1x80xi32, #tpu.memory_space<hbm>>
      %dma_start3A_148 = tpu.memref_squeeze %dma_start3A_147 : memref<1x80xi32, #tpu.memory_space<hbm>> -> memref<80xi32, #tpu.memory_space<hbm>>
      %dma_start3A_149 = arith.constant 0 : i32
      %dma_start3A_150 = tpu.memref_slice %arg3[%add3A_21, %dma_start3A_149] : memref<125x80xi32, #tpu.memory_space<hbm>> -> memref<1x80xi32, #tpu.memory_space<hbm>>
      %dma_start3A_151 = tpu.memref_squeeze %dma_start3A_150 : memref<1x80xi32, #tpu.memory_space<hbm>> -> memref<80xi32, #tpu.memory_space<hbm>>
      tpu.enqueue_dma source(%dma_start3A_151 : memref<80xi32, #tpu.memory_space<hbm>>) target(%arg14 : memref<80xi32, #tpu.memory_space<vmem>>) target_semaphore(%run_scoped3A : memref<!tpu.dma_semaphore, #tpu.memory_space<semaphore_mem>>)
      %dma_wait3A = arith.constant 0 : i32
      %dma_wait3A_152 = tpu.memref_slice %arg3[%add3A_21, %dma_wait3A] : memref<125x80xi32, #tpu.memory_space<hbm>> -> memref<1x80xi32, #tpu.memory_space<hbm>>
      %dma_wait3A_153 = tpu.memref_squeeze %dma_wait3A_152 : memref<1x80xi32, #tpu.memory_space<hbm>> -> memref<80xi32, #tpu.memory_space<hbm>>
      %dma_wait3A_154 = arith.constant 0 : i32
      %dma_wait3A_155 = tpu.memref_slice %arg3[%add3A_21, %dma_wait3A_154] : memref<125x80xi32, #tpu.memory_space<hbm>> -> memref<1x80xi32, #tpu.memory_space<hbm>>
      %dma_wait3A_156 = tpu.memref_squeeze %dma_wait3A_155 : memref<1x80xi32, #tpu.memory_space<hbm>> -> memref<80xi32, #tpu.memory_space<hbm>>
      tpu.wait_dma2 semaphore(%run_scoped3A : memref<!tpu.dma_semaphore, #tpu.memory_space<semaphore_mem>>) src(%dma_wait3A_156 : memref<80xi32, #tpu.memory_space<hbm>>) dst(%arg14 : memref<80xi32, #tpu.memory_space<vmem>>)
      tpu.yield
    }) : () -> ()
    %add3A_22 = arith.constant 80 : i32
    %add3A_23 = arith.addi %add3A_22, %arg1 : i32
    "tpu.region"() ({
      %run_scoped3A = tpu.sem_alloc : memref<!tpu.dma_semaphore, #tpu.memory_space<semaphore_mem>>
      %dma_start3A = arith.constant 0 : i32
      %dma_start3A_147 = tpu.memref_slice %arg3[%add3A_23, %dma_start3A] : memref<125x80xi32, #tpu.memory_space<hbm>> -> memref<1x80xi32, #tpu.memory_space<hbm>>
      %dma_start3A_148 = tpu.memref_squeeze %dma_start3A_147 : memref<1x80xi32, #tpu.memory_space<hbm>> -> memref<80xi32, #tpu.memory_space<hbm>>
      %dma_start3A_149 = arith.constant 0 : i32
      %dma_start3A_150 = tpu.memref_slice %arg3[%add3A_23, %dma_start3A_149] : memref<125x80xi32, #tpu.memory_space<hbm>> -> memref<1x80xi32, #tpu.memory_space<hbm>>
      %dma_start3A_151 = tpu.memref_squeeze %dma_start3A_150 : memref<1x80xi32, #tpu.memory_space<hbm>> -> memref<80xi32, #tpu.memory_space<hbm>>
      tpu.enqueue_dma source(%dma_start3A_151 : memref<80xi32, #tpu.memory_space<hbm>>) target(%arg15 : memref<80xi32, #tpu.memory_space<vmem>>) target_semaphore(%run_scoped3A : memref<!tpu.dma_semaphore, #tpu.memory_space<semaphore_mem>>)
      %dma_wait3A = arith.constant 0 : i32
      %dma_wait3A_152 = tpu.memref_slice %arg3[%add3A_23, %dma_wait3A] : memref<125x80xi32, #tpu.memory_space<hbm>> -> memref<1x80xi32, #tpu.memory_space<hbm>>
      %dma_wait3A_153 = tpu.memref_squeeze %dma_wait3A_152 : memref<1x80xi32, #tpu.memory_space<hbm>> -> memref<80xi32, #tpu.memory_space<hbm>>
      %dma_wait3A_154 = arith.constant 0 : i32
      %dma_wait3A_155 = tpu.memref_slice %arg3[%add3A_23, %dma_wait3A_154] : memref<125x80xi32, #tpu.memory_space<hbm>> -> memref<1x80xi32, #tpu.memory_space<hbm>>
      %dma_wait3A_156 = tpu.memref_squeeze %dma_wait3A_155 : memref<1x80xi32, #tpu.memory_space<hbm>> -> memref<80xi32, #tpu.memory_space<hbm>>
      tpu.wait_dma2 semaphore(%run_scoped3A : memref<!tpu.dma_semaphore, #tpu.memory_space<semaphore_mem>>) src(%dma_wait3A_156 : memref<80xi32, #tpu.memory_space<hbm>>) dst(%arg15 : memref<80xi32, #tpu.memory_space<vmem>>)
      tpu.yield
    }) : () -> ()
    %add3A_24 = arith.constant 96 : i32
    %add3A_25 = arith.addi %add3A_24, %arg1 : i32
    "tpu.region"() ({
      %run_scoped3A = tpu.sem_alloc : memref<!tpu.dma_semaphore, #tpu.memory_space<semaphore_mem>>
      %dma_start3A = arith.constant 0 : i32
      %dma_start3A_147 = tpu.memref_slice %arg3[%add3A_25, %dma_start3A] : memref<125x80xi32, #tpu.memory_space<hbm>> -> memref<1x80xi32, #tpu.memory_space<hbm>>
      %dma_start3A_148 = tpu.memref_squeeze %dma_start3A_147 : memref<1x80xi32, #tpu.memory_space<hbm>> -> memref<80xi32, #tpu.memory_space<hbm>>
      %dma_start3A_149 = arith.constant 0 : i32
      %dma_start3A_150 = tpu.memref_slice %arg3[%add3A_25, %dma_start3A_149] : memref<125x80xi32, #tpu.memory_space<hbm>> -> memref<1x80xi32, #tpu.memory_space<hbm>>
      %dma_start3A_151 = tpu.memref_squeeze %dma_start3A_150 : memref<1x80xi32, #tpu.memory_space<hbm>> -> memref<80xi32, #tpu.memory_space<hbm>>
      tpu.enqueue_dma source(%dma_start3A_151 : memref<80xi32, #tpu.memory_space<hbm>>) target(%arg16 : memref<80xi32, #tpu.memory_space<vmem>>) target_semaphore(%run_scoped3A : memref<!tpu.dma_semaphore, #tpu.memory_space<semaphore_mem>>)
      %dma_wait3A = arith.constant 0 : i32
      %dma_wait3A_152 = tpu.memref_slice %arg3[%add3A_25, %dma_wait3A] : memref<125x80xi32, #tpu.memory_space<hbm>> -> memref<1x80xi32, #tpu.memory_space<hbm>>
      %dma_wait3A_153 = tpu.memref_squeeze %dma_wait3A_152 : memref<1x80xi32, #tpu.memory_space<hbm>> -> memref<80xi32, #tpu.memory_space<hbm>>
      %dma_wait3A_154 = arith.constant 0 : i32
      %dma_wait3A_155 = tpu.memref_slice %arg3[%add3A_25, %dma_wait3A_154] : memref<125x80xi32, #tpu.memory_space<hbm>> -> memref<1x80xi32, #tpu.memory_space<hbm>>
      %dma_wait3A_156 = tpu.memref_squeeze %dma_wait3A_155 : memref<1x80xi32, #tpu.memory_space<hbm>> -> memref<80xi32, #tpu.memory_space<hbm>>
      tpu.wait_dma2 semaphore(%run_scoped3A : memref<!tpu.dma_semaphore, #tpu.memory_space<semaphore_mem>>) src(%dma_wait3A_156 : memref<80xi32, #tpu.memory_space<hbm>>) dst(%arg16 : memref<80xi32, #tpu.memory_space<vmem>>)
      tpu.yield
    }) : () -> ()
    %lt3A = arith.constant 13 : i32
    %lt3A_26 = arith.cmpi slt, %arg1, %lt3A : i32
    %convert_element_type3A = arith.extui %lt3A_26 : i1 to i32
    %cond3A = arith.constant 0 : i32
    %cond3A_27 = arith.cmpi ne, %convert_element_type3A, %cond3A : i32
    scf.if %cond3A_27 {
      %add3A_147 = arith.constant 112 : i32
      %add3A_148 = arith.addi %add3A_147, %arg1 : i32
      "tpu.region"() ({
        %run_scoped3A = tpu.sem_alloc : memref<!tpu.dma_semaphore, #tpu.memory_space<semaphore_mem>>
        %dma_start3A = arith.constant 0 : i32
        %dma_start3A_149 = tpu.memref_slice %arg3[%add3A_148, %dma_start3A] : memref<125x80xi32, #tpu.memory_space<hbm>> -> memref<1x80xi32, #tpu.memory_space<hbm>>
        %dma_start3A_150 = tpu.memref_squeeze %dma_start3A_149 : memref<1x80xi32, #tpu.memory_space<hbm>> -> memref<80xi32, #tpu.memory_space<hbm>>
        %dma_start3A_151 = arith.constant 0 : i32
        %dma_start3A_152 = tpu.memref_slice %arg3[%add3A_148, %dma_start3A_151] : memref<125x80xi32, #tpu.memory_space<hbm>> -> memref<1x80xi32, #tpu.memory_space<hbm>>
        %dma_start3A_153 = tpu.memref_squeeze %dma_start3A_152 : memref<1x80xi32, #tpu.memory_space<hbm>> -> memref<80xi32, #tpu.memory_space<hbm>>
        tpu.enqueue_dma source(%dma_start3A_153 : memref<80xi32, #tpu.memory_space<hbm>>) target(%arg17 : memref<80xi32, #tpu.memory_space<vmem>>) target_semaphore(%run_scoped3A : memref<!tpu.dma_semaphore, #tpu.memory_space<semaphore_mem>>)
        %dma_wait3A = arith.constant 0 : i32
        %dma_wait3A_154 = tpu.memref_slice %arg3[%add3A_148, %dma_wait3A] : memref<125x80xi32, #tpu.memory_space<hbm>> -> memref<1x80xi32, #tpu.memory_space<hbm>>
        %dma_wait3A_155 = tpu.memref_squeeze %dma_wait3A_154 : memref<1x80xi32, #tpu.memory_space<hbm>> -> memref<80xi32, #tpu.memory_space<hbm>>
        %dma_wait3A_156 = arith.constant 0 : i32
        %dma_wait3A_157 = tpu.memref_slice %arg3[%add3A_148, %dma_wait3A_156] : memref<125x80xi32, #tpu.memory_space<hbm>> -> memref<1x80xi32, #tpu.memory_space<hbm>>
        %dma_wait3A_158 = tpu.memref_squeeze %dma_wait3A_157 : memref<1x80xi32, #tpu.memory_space<hbm>> -> memref<80xi32, #tpu.memory_space<hbm>>
        tpu.wait_dma2 semaphore(%run_scoped3A : memref<!tpu.dma_semaphore, #tpu.memory_space<semaphore_mem>>) src(%dma_wait3A_158 : memref<80xi32, #tpu.memory_space<hbm>>) dst(%arg17 : memref<80xi32, #tpu.memory_space<vmem>>)
        tpu.yield
      }) : () -> ()
    } else {
    }
    %add3A_28 = arith.constant 0 : i32
    %add3A_29 = arith.addi %add3A_28, %arg1 : i32
    %mul3A_30 = arith.constant 80 : i32
    %mul3A_31 = arith.muli %add3A_29, %mul3A_30 : i32
    %mul3A_32 = arith.constant 2 : i32
    %mul3A_33 = arith.muli %mul3A_32, %arg0 : i32
    %mul3A_34 = arith.constant 128 : i32
    %mul3A_35 = arith.muli %mul3A_33, %mul3A_34 : i32
    "tpu.region"() ({
      %run_scoped3A = tpu.sem_alloc : memref<!tpu.dma_semaphore, #tpu.memory_space<semaphore_mem>>
      %dma_start3A = tpu.memref_slice %arg2[%mul3A_31, %mul3A_35] : memref<10000x512xf32, #tpu.memory_space<hbm>> -> memref<80x128xf32, #tpu.memory_space<hbm>>
      %dma_start3A_147 = tpu.memref_slice %arg2[%mul3A_31, %mul3A_35] : memref<10000x512xf32, #tpu.memory_space<hbm>> -> memref<80x128xf32, #tpu.memory_space<hbm>>
      tpu.enqueue_dma source(%dma_start3A_147 : memref<80x128xf32, #tpu.memory_space<hbm>>) target(%arg7 : memref<80x128xf32, #tpu.memory_space<vmem>>) target_semaphore(%run_scoped3A : memref<!tpu.dma_semaphore, #tpu.memory_space<semaphore_mem>>)
      %dma_wait3A = tpu.memref_slice %arg2[%mul3A_31, %mul3A_35] : memref<10000x512xf32, #tpu.memory_space<hbm>> -> memref<80x128xf32, #tpu.memory_space<hbm>>
      %dma_wait3A_148 = tpu.memref_slice %arg2[%mul3A_31, %mul3A_35] : memref<10000x512xf32, #tpu.memory_space<hbm>> -> memref<80x128xf32, #tpu.memory_space<hbm>>
      tpu.wait_dma2 semaphore(%run_scoped3A : memref<!tpu.dma_semaphore, #tpu.memory_space<semaphore_mem>>) src(%dma_wait3A_148 : memref<80x128xf32, #tpu.memory_space<hbm>>) dst(%arg7 : memref<80x128xf32, #tpu.memory_space<vmem>>)
      tpu.yield
    }) : () -> ()
    %mul3A_36 = arith.constant 2 : i32
    %mul3A_37 = arith.muli %mul3A_36, %arg0 : i32
    %add3A_38 = arith.constant 1 : i32
    %add3A_39 = arith.addi %mul3A_37, %add3A_38 : i32
    %mul3A_40 = arith.constant 128 : i32
    %mul3A_41 = arith.muli %add3A_39, %mul3A_40 : i32
    "tpu.region"() ({
      %run_scoped3A = tpu.sem_alloc : memref<!tpu.dma_semaphore, #tpu.memory_space<semaphore_mem>>
      %dma_start3A = tpu.memref_slice %arg2[%mul3A_31, %mul3A_41] : memref<10000x512xf32, #tpu.memory_space<hbm>> -> memref<80x128xf32, #tpu.memory_space<hbm>>
      %dma_start3A_147 = tpu.memref_slice %arg2[%mul3A_31, %mul3A_41] : memref<10000x512xf32, #tpu.memory_space<hbm>> -> memref<80x128xf32, #tpu.memory_space<hbm>>
      tpu.enqueue_dma source(%dma_start3A_147 : memref<80x128xf32, #tpu.memory_space<hbm>>) target(%arg8 : memref<80x128xf32, #tpu.memory_space<vmem>>) target_semaphore(%run_scoped3A : memref<!tpu.dma_semaphore, #tpu.memory_space<semaphore_mem>>)
      %dma_wait3A = tpu.memref_slice %arg2[%mul3A_31, %mul3A_41] : memref<10000x512xf32, #tpu.memory_space<hbm>> -> memref<80x128xf32, #tpu.memory_space<hbm>>
      %dma_wait3A_148 = tpu.memref_slice %arg2[%mul3A_31, %mul3A_41] : memref<10000x512xf32, #tpu.memory_space<hbm>> -> memref<80x128xf32, #tpu.memory_space<hbm>>
      tpu.wait_dma2 semaphore(%run_scoped3A : memref<!tpu.dma_semaphore, #tpu.memory_space<semaphore_mem>>) src(%dma_wait3A_148 : memref<80x128xf32, #tpu.memory_space<hbm>>) dst(%arg8 : memref<80x128xf32, #tpu.memory_space<vmem>>)
      tpu.yield
    }) : () -> ()
    "tpu.region"() ({
      %run_scoped3A = tpu.sem_alloc : memref<!tpu.dma_semaphore, #tpu.memory_space<semaphore_mem>>
      tpu.enqueue_dma source(%arg4 : memref<80x16xf32, #tpu.memory_space<hbm>>) target(%arg9 : memref<80x16xf32, #tpu.memory_space<vmem>>) target_semaphore(%run_scoped3A : memref<!tpu.dma_semaphore, #tpu.memory_space<semaphore_mem>>)
      tpu.wait_dma2 semaphore(%run_scoped3A : memref<!tpu.dma_semaphore, #tpu.memory_space<semaphore_mem>>) src(%arg4 : memref<80x16xf32, #tpu.memory_space<hbm>>) dst(%arg9 : memref<80x16xf32, #tpu.memory_space<vmem>>)
      tpu.yield
    }) : () -> ()
    "tpu.region"() ({
      %run_scoped3A = tpu.sem_alloc : memref<!tpu.dma_semaphore, #tpu.memory_space<semaphore_mem>>
      %dma_start3A = arith.constant 0 : i32
      %dma_start3A_147 = arith.constant 0 : i32
      %dma_start3A_148 = tpu.memref_slice %arg18[%dma_start3A, %dma_start3A_147] : memref<2048x128xf32, #tpu.memory_space<vmem_shared>> -> memref<2048x128xf32, #tpu.memory_space<vmem_shared>>
      tpu.enqueue_indirect_dma source(%arg7 : memref<80x128xf32, #tpu.memory_space<vmem>>) target(%dma_start3A_148 : memref<2048x128xf32, #tpu.memory_space<vmem_shared>>) offsets(%arg10 : memref<80xi32, #tpu.memory_space<vmem>>) semaphore(%run_scoped3A : memref<!tpu.dma_semaphore, #tpu.memory_space<semaphore_mem>>) {add = true}
      %dma_wait3A = arith.constant 0 : i32
      %dma_wait3A_149 = arith.constant 0 : i32
      %dma_wait3A_150 = tpu.memref_slice %arg18[%dma_wait3A, %dma_wait3A_149] : memref<2048x128xf32, #tpu.memory_space<vmem_shared>> -> memref<2048x128xf32, #tpu.memory_space<vmem_shared>>
      tpu.wait_indirect_dma semaphore(%run_scoped3A : memref<!tpu.dma_semaphore, #tpu.memory_space<semaphore_mem>>) src(%arg7 : memref<80x128xf32, #tpu.memory_space<vmem>>) dst(%dma_wait3A_150 : memref<2048x128xf32, #tpu.memory_space<vmem_shared>>)
      tpu.yield
    }) : () -> ()
    "tpu.region"() ({
      %run_scoped3A = tpu.sem_alloc : memref<!tpu.dma_semaphore, #tpu.memory_space<semaphore_mem>>
      %dma_start3A = arith.constant 0 : i32
      %dma_start3A_147 = arith.constant 0 : i32
      %dma_start3A_148 = tpu.memref_slice %arg19[%dma_start3A, %dma_start3A_147] : memref<2048x128xf32, #tpu.memory_space<vmem_shared>> -> memref<2048x128xf32, #tpu.memory_space<vmem_shared>>
      tpu.enqueue_indirect_dma source(%arg8 : memref<80x128xf32, #tpu.memory_space<vmem>>) target(%dma_start3A_148 : memref<2048x128xf32, #tpu.memory_space<vmem_shared>>) offsets(%arg10 : memref<80xi32, #tpu.memory_space<vmem>>) semaphore(%run_scoped3A : memref<!tpu.dma_semaphore, #tpu.memory_space<semaphore_mem>>) {add = true}
      %dma_wait3A = arith.constant 0 : i32
      %dma_wait3A_149 = arith.constant 0 : i32
      %dma_wait3A_150 = tpu.memref_slice %arg19[%dma_wait3A, %dma_wait3A_149] : memref<2048x128xf32, #tpu.memory_space<vmem_shared>> -> memref<2048x128xf32, #tpu.memory_space<vmem_shared>>
      tpu.wait_indirect_dma semaphore(%run_scoped3A : memref<!tpu.dma_semaphore, #tpu.memory_space<semaphore_mem>>) src(%arg8 : memref<80x128xf32, #tpu.memory_space<vmem>>) dst(%dma_wait3A_150 : memref<2048x128xf32, #tpu.memory_space<vmem_shared>>)
      tpu.yield
    }) : () -> ()
    "tpu.region"() ({
      %run_scoped3A = tpu.sem_alloc : memref<!tpu.dma_semaphore, #tpu.memory_space<semaphore_mem>>
      %dma_start3A = arith.constant 0 : i32
      %dma_start3A_147 = arith.constant 0 : i32
      %dma_start3A_148 = tpu.memref_slice %arg20[%dma_start3A, %dma_start3A_147] : memref<2048x16xf32, #tpu.memory_space<vmem_shared>> -> memref<2048x16xf32, #tpu.memory_space<vmem_shared>>
      tpu.enqueue_indirect_dma source(%arg9 : memref<80x16xf32, #tpu.memory_space<vmem>>) target(%dma_start3A_148 : memref<2048x16xf32, #tpu.memory_space<vmem_shared>>) offsets(%arg10 : memref<80xi32, #tpu.memory_space<vmem>>) semaphore(%run_scoped3A : memref<!tpu.dma_semaphore, #tpu.memory_space<semaphore_mem>>) {add = true}
      %dma_wait3A = arith.constant 0 : i32
      %dma_wait3A_149 = arith.constant 0 : i32
      %dma_wait3A_150 = tpu.memref_slice %arg20[%dma_wait3A, %dma_wait3A_149] : memref<2048x16xf32, #tpu.memory_space<vmem_shared>> -> memref<2048x16xf32, #tpu.memory_space<vmem_shared>>
      tpu.wait_indirect_dma semaphore(%run_scoped3A : memref<!tpu.dma_semaphore, #tpu.memory_space<semaphore_mem>>) src(%arg9 : memref<80x16xf32, #tpu.memory_space<vmem>>) dst(%dma_wait3A_150 : memref<2048x16xf32, #tpu.memory_space<vmem_shared>>)
      tpu.yield
    }) : () -> ()
    %add3A_42 = arith.constant 16 : i32
    %add3A_43 = arith.addi %add3A_42, %arg1 : i32
    %mul3A_44 = arith.constant 80 : i32
    %mul3A_45 = arith.muli %add3A_43, %mul3A_44 : i32
    %mul3A_46 = arith.constant 2 : i32
    %mul3A_47 = arith.muli %mul3A_46, %arg0 : i32
    %mul3A_48 = arith.constant 128 : i32
    %mul3A_49 = arith.muli %mul3A_47, %mul3A_48 : i32
    "tpu.region"() ({
      %run_scoped3A = tpu.sem_alloc : memref<!tpu.dma_semaphore, #tpu.memory_space<semaphore_mem>>
      %dma_start3A = tpu.memref_slice %arg2[%mul3A_45, %mul3A_49] : memref<10000x512xf32, #tpu.memory_space<hbm>> -> memref<80x128xf32, #tpu.memory_space<hbm>>
      %dma_start3A_147 = tpu.memref_slice %arg2[%mul3A_45, %mul3A_49] : memref<10000x512xf32, #tpu.memory_space<hbm>> -> memref<80x128xf32, #tpu.memory_space<hbm>>
      tpu.enqueue_dma source(%dma_start3A_147 : memref<80x128xf32, #tpu.memory_space<hbm>>) target(%arg7 : memref<80x128xf32, #tpu.memory_space<vmem>>) target_semaphore(%run_scoped3A : memref<!tpu.dma_semaphore, #tpu.memory_space<semaphore_mem>>)
      %dma_wait3A = tpu.memref_slice %arg2[%mul3A_45, %mul3A_49] : memref<10000x512xf32, #tpu.memory_space<hbm>> -> memref<80x128xf32, #tpu.memory_space<hbm>>
      %dma_wait3A_148 = tpu.memref_slice %arg2[%mul3A_45, %mul3A_49] : memref<10000x512xf32, #tpu.memory_space<hbm>> -> memref<80x128xf32, #tpu.memory_space<hbm>>
      tpu.wait_dma2 semaphore(%run_scoped3A : memref<!tpu.dma_semaphore, #tpu.memory_space<semaphore_mem>>) src(%dma_wait3A_148 : memref<80x128xf32, #tpu.memory_space<hbm>>) dst(%arg7 : memref<80x128xf32, #tpu.memory_space<vmem>>)
      tpu.yield
    }) : () -> ()
    %mul3A_50 = arith.constant 2 : i32
    %mul3A_51 = arith.muli %mul3A_50, %arg0 : i32
    %add3A_52 = arith.constant 1 : i32
    %add3A_53 = arith.addi %mul3A_51, %add3A_52 : i32
    %mul3A_54 = arith.constant 128 : i32
    %mul3A_55 = arith.muli %add3A_53, %mul3A_54 : i32
    "tpu.region"() ({
      %run_scoped3A = tpu.sem_alloc : memref<!tpu.dma_semaphore, #tpu.memory_space<semaphore_mem>>
      %dma_start3A = tpu.memref_slice %arg2[%mul3A_45, %mul3A_55] : memref<10000x512xf32, #tpu.memory_space<hbm>> -> memref<80x128xf32, #tpu.memory_space<hbm>>
      %dma_start3A_147 = tpu.memref_slice %arg2[%mul3A_45, %mul3A_55] : memref<10000x512xf32, #tpu.memory_space<hbm>> -> memref<80x128xf32, #tpu.memory_space<hbm>>
      tpu.enqueue_dma source(%dma_start3A_147 : memref<80x128xf32, #tpu.memory_space<hbm>>) target(%arg8 : memref<80x128xf32, #tpu.memory_space<vmem>>) target_semaphore(%run_scoped3A : memref<!tpu.dma_semaphore, #tpu.memory_space<semaphore_mem>>)
      %dma_wait3A = tpu.memref_slice %arg2[%mul3A_45, %mul3A_55] : memref<10000x512xf32, #tpu.memory_space<hbm>> -> memref<80x128xf32, #tpu.memory_space<hbm>>
      %dma_wait3A_148 = tpu.memref_slice %arg2[%mul3A_45, %mul3A_55] : memref<10000x512xf32, #tpu.memory_space<hbm>> -> memref<80x128xf32, #tpu.memory_space<hbm>>
      tpu.wait_dma2 semaphore(%run_scoped3A : memref<!tpu.dma_semaphore, #tpu.memory_space<semaphore_mem>>) src(%dma_wait3A_148 : memref<80x128xf32, #tpu.memory_space<hbm>>) dst(%arg8 : memref<80x128xf32, #tpu.memory_space<vmem>>)
      tpu.yield
    }) : () -> ()
    "tpu.region"() ({
      %run_scoped3A = tpu.sem_alloc : memref<!tpu.dma_semaphore, #tpu.memory_space<semaphore_mem>>
      tpu.enqueue_dma source(%arg4 : memref<80x16xf32, #tpu.memory_space<hbm>>) target(%arg9 : memref<80x16xf32, #tpu.memory_space<vmem>>) target_semaphore(%run_scoped3A : memref<!tpu.dma_semaphore, #tpu.memory_space<semaphore_mem>>)
      tpu.wait_dma2 semaphore(%run_scoped3A : memref<!tpu.dma_semaphore, #tpu.memory_space<semaphore_mem>>) src(%arg4 : memref<80x16xf32, #tpu.memory_space<hbm>>) dst(%arg9 : memref<80x16xf32, #tpu.memory_space<vmem>>)
      tpu.yield
    }) : () -> ()
    "tpu.region"() ({
      %run_scoped3A = tpu.sem_alloc : memref<!tpu.dma_semaphore, #tpu.memory_space<semaphore_mem>>
      %dma_start3A = arith.constant 0 : i32
      %dma_start3A_147 = arith.constant 0 : i32
      %dma_start3A_148 = tpu.memref_slice %arg18[%dma_start3A, %dma_start3A_147] : memref<2048x128xf32, #tpu.memory_space<vmem_shared>> -> memref<2048x128xf32, #tpu.memory_space<vmem_shared>>
      tpu.enqueue_indirect_dma source(%arg7 : memref<80x128xf32, #tpu.memory_space<vmem>>) target(%dma_start3A_148 : memref<2048x128xf32, #tpu.memory_space<vmem_shared>>) offsets(%arg11 : memref<80xi32, #tpu.memory_space<vmem>>) semaphore(%run_scoped3A : memref<!tpu.dma_semaphore, #tpu.memory_space<semaphore_mem>>) {add = true}
      %dma_wait3A = arith.constant 0 : i32
      %dma_wait3A_149 = arith.constant 0 : i32
      %dma_wait3A_150 = tpu.memref_slice %arg18[%dma_wait3A, %dma_wait3A_149] : memref<2048x128xf32, #tpu.memory_space<vmem_shared>> -> memref<2048x128xf32, #tpu.memory_space<vmem_shared>>
      tpu.wait_indirect_dma semaphore(%run_scoped3A : memref<!tpu.dma_semaphore, #tpu.memory_space<semaphore_mem>>) src(%arg7 : memref<80x128xf32, #tpu.memory_space<vmem>>) dst(%dma_wait3A_150 : memref<2048x128xf32, #tpu.memory_space<vmem_shared>>)
      tpu.yield
    }) : () -> ()
    "tpu.region"() ({
      %run_scoped3A = tpu.sem_alloc : memref<!tpu.dma_semaphore, #tpu.memory_space<semaphore_mem>>
      %dma_start3A = arith.constant 0 : i32
      %dma_start3A_147 = arith.constant 0 : i32
      %dma_start3A_148 = tpu.memref_slice %arg19[%dma_start3A, %dma_start3A_147] : memref<2048x128xf32, #tpu.memory_space<vmem_shared>> -> memref<2048x128xf32, #tpu.memory_space<vmem_shared>>
      tpu.enqueue_indirect_dma source(%arg8 : memref<80x128xf32, #tpu.memory_space<vmem>>) target(%dma_start3A_148 : memref<2048x128xf32, #tpu.memory_space<vmem_shared>>) offsets(%arg11 : memref<80xi32, #tpu.memory_space<vmem>>) semaphore(%run_scoped3A : memref<!tpu.dma_semaphore, #tpu.memory_space<semaphore_mem>>) {add = true}
      %dma_wait3A = arith.constant 0 : i32
      %dma_wait3A_149 = arith.constant 0 : i32
      %dma_wait3A_150 = tpu.memref_slice %arg19[%dma_wait3A, %dma_wait3A_149] : memref<2048x128xf32, #tpu.memory_space<vmem_shared>> -> memref<2048x128xf32, #tpu.memory_space<vmem_shared>>
      tpu.wait_indirect_dma semaphore(%run_scoped3A : memref<!tpu.dma_semaphore, #tpu.memory_space<semaphore_mem>>) src(%arg8 : memref<80x128xf32, #tpu.memory_space<vmem>>) dst(%dma_wait3A_150 : memref<2048x128xf32, #tpu.memory_space<vmem_shared>>)
      tpu.yield
    }) : () -> ()
    "tpu.region"() ({
      %run_scoped3A = tpu.sem_alloc : memref<!tpu.dma_semaphore, #tpu.memory_space<semaphore_mem>>
      %dma_start3A = arith.constant 0 : i32
      %dma_start3A_147 = arith.constant 0 : i32
      %dma_start3A_148 = tpu.memref_slice %arg20[%dma_start3A, %dma_start3A_147] : memref<2048x16xf32, #tpu.memory_space<vmem_shared>> -> memref<2048x16xf32, #tpu.memory_space<vmem_shared>>
      tpu.enqueue_indirect_dma source(%arg9 : memref<80x16xf32, #tpu.memory_space<vmem>>) target(%dma_start3A_148 : memref<2048x16xf32, #tpu.memory_space<vmem_shared>>) offsets(%arg11 : memref<80xi32, #tpu.memory_space<vmem>>) semaphore(%run_scoped3A : memref<!tpu.dma_semaphore, #tpu.memory_space<semaphore_mem>>) {add = true}
      %dma_wait3A = arith.constant 0 : i32
      %dma_wait3A_149 = arith.constant 0 : i32
      %dma_wait3A_150 = tpu.memref_slice %arg20[%dma_wait3A, %dma_wait3A_149] : memref<2048x16xf32, #tpu.memory_space<vmem_shared>> -> memref<2048x16xf32, #tpu.memory_space<vmem_shared>>
      tpu.wait_indirect_dma semaphore(%run_scoped3A : memref<!tpu.dma_semaphore, #tpu.memory_space<semaphore_mem>>) src(%arg9 : memref<80x16xf32, #tpu.memory_space<vmem>>) dst(%dma_wait3A_150 : memref<2048x16xf32, #tpu.memory_space<vmem_shared>>)
      tpu.yield
    }) : () -> ()
    %add3A_56 = arith.constant 32 : i32
    %add3A_57 = arith.addi %add3A_56, %arg1 : i32
    %mul3A_58 = arith.constant 80 : i32
    %mul3A_59 = arith.muli %add3A_57, %mul3A_58 : i32
    %mul3A_60 = arith.constant 2 : i32
    %mul3A_61 = arith.muli %mul3A_60, %arg0 : i32
    %mul3A_62 = arith.constant 128 : i32
    %mul3A_63 = arith.muli %mul3A_61, %mul3A_62 : i32
    "tpu.region"() ({
      %run_scoped3A = tpu.sem_alloc : memref<!tpu.dma_semaphore, #tpu.memory_space<semaphore_mem>>
      %dma_start3A = tpu.memref_slice %arg2[%mul3A_59, %mul3A_63] : memref<10000x512xf32, #tpu.memory_space<hbm>> -> memref<80x128xf32, #tpu.memory_space<hbm>>
      %dma_start3A_147 = tpu.memref_slice %arg2[%mul3A_59, %mul3A_63] : memref<10000x512xf32, #tpu.memory_space<hbm>> -> memref<80x128xf32, #tpu.memory_space<hbm>>
      tpu.enqueue_dma source(%dma_start3A_147 : memref<80x128xf32, #tpu.memory_space<hbm>>) target(%arg7 : memref<80x128xf32, #tpu.memory_space<vmem>>) target_semaphore(%run_scoped3A : memref<!tpu.dma_semaphore, #tpu.memory_space<semaphore_mem>>)
      %dma_wait3A = tpu.memref_slice %arg2[%mul3A_59, %mul3A_63] : memref<10000x512xf32, #tpu.memory_space<hbm>> -> memref<80x128xf32, #tpu.memory_space<hbm>>
      %dma_wait3A_148 = tpu.memref_slice %arg2[%mul3A_59, %mul3A_63] : memref<10000x512xf32, #tpu.memory_space<hbm>> -> memref<80x128xf32, #tpu.memory_space<hbm>>
      tpu.wait_dma2 semaphore(%run_scoped3A : memref<!tpu.dma_semaphore, #tpu.memory_space<semaphore_mem>>) src(%dma_wait3A_148 : memref<80x128xf32, #tpu.memory_space<hbm>>) dst(%arg7 : memref<80x128xf32, #tpu.memory_space<vmem>>)
      tpu.yield
    }) : () -> ()
    %mul3A_64 = arith.constant 2 : i32
    %mul3A_65 = arith.muli %mul3A_64, %arg0 : i32
    %add3A_66 = arith.constant 1 : i32
    %add3A_67 = arith.addi %mul3A_65, %add3A_66 : i32
    %mul3A_68 = arith.constant 128 : i32
    %mul3A_69 = arith.muli %add3A_67, %mul3A_68 : i32
    "tpu.region"() ({
      %run_scoped3A = tpu.sem_alloc : memref<!tpu.dma_semaphore, #tpu.memory_space<semaphore_mem>>
      %dma_start3A = tpu.memref_slice %arg2[%mul3A_59, %mul3A_69] : memref<10000x512xf32, #tpu.memory_space<hbm>> -> memref<80x128xf32, #tpu.memory_space<hbm>>
      %dma_start3A_147 = tpu.memref_slice %arg2[%mul3A_59, %mul3A_69] : memref<10000x512xf32, #tpu.memory_space<hbm>> -> memref<80x128xf32, #tpu.memory_space<hbm>>
      tpu.enqueue_dma source(%dma_start3A_147 : memref<80x128xf32, #tpu.memory_space<hbm>>) target(%arg8 : memref<80x128xf32, #tpu.memory_space<vmem>>) target_semaphore(%run_scoped3A : memref<!tpu.dma_semaphore, #tpu.memory_space<semaphore_mem>>)
      %dma_wait3A = tpu.memref_slice %arg2[%mul3A_59, %mul3A_69] : memref<10000x512xf32, #tpu.memory_space<hbm>> -> memref<80x128xf32, #tpu.memory_space<hbm>>
      %dma_wait3A_148 = tpu.memref_slice %arg2[%mul3A_59, %mul3A_69] : memref<10000x512xf32, #tpu.memory_space<hbm>> -> memref<80x128xf32, #tpu.memory_space<hbm>>
      tpu.wait_dma2 semaphore(%run_scoped3A : memref<!tpu.dma_semaphore, #tpu.memory_space<semaphore_mem>>) src(%dma_wait3A_148 : memref<80x128xf32, #tpu.memory_space<hbm>>) dst(%arg8 : memref<80x128xf32, #tpu.memory_space<vmem>>)
      tpu.yield
    }) : () -> ()
    "tpu.region"() ({
      %run_scoped3A = tpu.sem_alloc : memref<!tpu.dma_semaphore, #tpu.memory_space<semaphore_mem>>
      tpu.enqueue_dma source(%arg4 : memref<80x16xf32, #tpu.memory_space<hbm>>) target(%arg9 : memref<80x16xf32, #tpu.memory_space<vmem>>) target_semaphore(%run_scoped3A : memref<!tpu.dma_semaphore, #tpu.memory_space<semaphore_mem>>)
      tpu.wait_dma2 semaphore(%run_scoped3A : memref<!tpu.dma_semaphore, #tpu.memory_space<semaphore_mem>>) src(%arg4 : memref<80x16xf32, #tpu.memory_space<hbm>>) dst(%arg9 : memref<80x16xf32, #tpu.memory_space<vmem>>)
      tpu.yield
    }) : () -> ()
    "tpu.region"() ({
      %run_scoped3A = tpu.sem_alloc : memref<!tpu.dma_semaphore, #tpu.memory_space<semaphore_mem>>
      %dma_start3A = arith.constant 0 : i32
      %dma_start3A_147 = arith.constant 0 : i32
      %dma_start3A_148 = tpu.memref_slice %arg18[%dma_start3A, %dma_start3A_147] : memref<2048x128xf32, #tpu.memory_space<vmem_shared>> -> memref<2048x128xf32, #tpu.memory_space<vmem_shared>>
      tpu.enqueue_indirect_dma source(%arg7 : memref<80x128xf32, #tpu.memory_space<vmem>>) target(%dma_start3A_148 : memref<2048x128xf32, #tpu.memory_space<vmem_shared>>) offsets(%arg12 : memref<80xi32, #tpu.memory_space<vmem>>) semaphore(%run_scoped3A : memref<!tpu.dma_semaphore, #tpu.memory_space<semaphore_mem>>) {add = true}
      %dma_wait3A = arith.constant 0 : i32
      %dma_wait3A_149 = arith.constant 0 : i32
      %dma_wait3A_150 = tpu.memref_slice %arg18[%dma_wait3A, %dma_wait3A_149] : memref<2048x128xf32, #tpu.memory_space<vmem_shared>> -> memref<2048x128xf32, #tpu.memory_space<vmem_shared>>
      tpu.wait_indirect_dma semaphore(%run_scoped3A : memref<!tpu.dma_semaphore, #tpu.memory_space<semaphore_mem>>) src(%arg7 : memref<80x128xf32, #tpu.memory_space<vmem>>) dst(%dma_wait3A_150 : memref<2048x128xf32, #tpu.memory_space<vmem_shared>>)
      tpu.yield
    }) : () -> ()
    "tpu.region"() ({
      %run_scoped3A = tpu.sem_alloc : memref<!tpu.dma_semaphore, #tpu.memory_space<semaphore_mem>>
      %dma_start3A = arith.constant 0 : i32
      %dma_start3A_147 = arith.constant 0 : i32
      %dma_start3A_148 = tpu.memref_slice %arg19[%dma_start3A, %dma_start3A_147] : memref<2048x128xf32, #tpu.memory_space<vmem_shared>> -> memref<2048x128xf32, #tpu.memory_space<vmem_shared>>
      tpu.enqueue_indirect_dma source(%arg8 : memref<80x128xf32, #tpu.memory_space<vmem>>) target(%dma_start3A_148 : memref<2048x128xf32, #tpu.memory_space<vmem_shared>>) offsets(%arg12 : memref<80xi32, #tpu.memory_space<vmem>>) semaphore(%run_scoped3A : memref<!tpu.dma_semaphore, #tpu.memory_space<semaphore_mem>>) {add = true}
      %dma_wait3A = arith.constant 0 : i32
      %dma_wait3A_149 = arith.constant 0 : i32
      %dma_wait3A_150 = tpu.memref_slice %arg19[%dma_wait3A, %dma_wait3A_149] : memref<2048x128xf32, #tpu.memory_space<vmem_shared>> -> memref<2048x128xf32, #tpu.memory_space<vmem_shared>>
      tpu.wait_indirect_dma semaphore(%run_scoped3A : memref<!tpu.dma_semaphore, #tpu.memory_space<semaphore_mem>>) src(%arg8 : memref<80x128xf32, #tpu.memory_space<vmem>>) dst(%dma_wait3A_150 : memref<2048x128xf32, #tpu.memory_space<vmem_shared>>)
      tpu.yield
    }) : () -> ()
    "tpu.region"() ({
      %run_scoped3A = tpu.sem_alloc : memref<!tpu.dma_semaphore, #tpu.memory_space<semaphore_mem>>
      %dma_start3A = arith.constant 0 : i32
      %dma_start3A_147 = arith.constant 0 : i32
      %dma_start3A_148 = tpu.memref_slice %arg20[%dma_start3A, %dma_start3A_147] : memref<2048x16xf32, #tpu.memory_space<vmem_shared>> -> memref<2048x16xf32, #tpu.memory_space<vmem_shared>>
      tpu.enqueue_indirect_dma source(%arg9 : memref<80x16xf32, #tpu.memory_space<vmem>>) target(%dma_start3A_148 : memref<2048x16xf32, #tpu.memory_space<vmem_shared>>) offsets(%arg12 : memref<80xi32, #tpu.memory_space<vmem>>) semaphore(%run_scoped3A : memref<!tpu.dma_semaphore, #tpu.memory_space<semaphore_mem>>) {add = true}
      %dma_wait3A = arith.constant 0 : i32
      %dma_wait3A_149 = arith.constant 0 : i32
      %dma_wait3A_150 = tpu.memref_slice %arg20[%dma_wait3A, %dma_wait3A_149] : memref<2048x16xf32, #tpu.memory_space<vmem_shared>> -> memref<2048x16xf32, #tpu.memory_space<vmem_shared>>
      tpu.wait_indirect_dma semaphore(%run_scoped3A : memref<!tpu.dma_semaphore, #tpu.memory_space<semaphore_mem>>) src(%arg9 : memref<80x16xf32, #tpu.memory_space<vmem>>) dst(%dma_wait3A_150 : memref<2048x16xf32, #tpu.memory_space<vmem_shared>>)
      tpu.yield
    }) : () -> ()
    %add3A_70 = arith.constant 48 : i32
    %add3A_71 = arith.addi %add3A_70, %arg1 : i32
    %mul3A_72 = arith.constant 80 : i32
    %mul3A_73 = arith.muli %add3A_71, %mul3A_72 : i32
    %mul3A_74 = arith.constant 2 : i32
    %mul3A_75 = arith.muli %mul3A_74, %arg0 : i32
    %mul3A_76 = arith.constant 128 : i32
    %mul3A_77 = arith.muli %mul3A_75, %mul3A_76 : i32
    "tpu.region"() ({
      %run_scoped3A = tpu.sem_alloc : memref<!tpu.dma_semaphore, #tpu.memory_space<semaphore_mem>>
      %dma_start3A = tpu.memref_slice %arg2[%mul3A_73, %mul3A_77] : memref<10000x512xf32, #tpu.memory_space<hbm>> -> memref<80x128xf32, #tpu.memory_space<hbm>>
      %dma_start3A_147 = tpu.memref_slice %arg2[%mul3A_73, %mul3A_77] : memref<10000x512xf32, #tpu.memory_space<hbm>> -> memref<80x128xf32, #tpu.memory_space<hbm>>
      tpu.enqueue_dma source(%dma_start3A_147 : memref<80x128xf32, #tpu.memory_space<hbm>>) target(%arg7 : memref<80x128xf32, #tpu.memory_space<vmem>>) target_semaphore(%run_scoped3A : memref<!tpu.dma_semaphore, #tpu.memory_space<semaphore_mem>>)
      %dma_wait3A = tpu.memref_slice %arg2[%mul3A_73, %mul3A_77] : memref<10000x512xf32, #tpu.memory_space<hbm>> -> memref<80x128xf32, #tpu.memory_space<hbm>>
      %dma_wait3A_148 = tpu.memref_slice %arg2[%mul3A_73, %mul3A_77] : memref<10000x512xf32, #tpu.memory_space<hbm>> -> memref<80x128xf32, #tpu.memory_space<hbm>>
      tpu.wait_dma2 semaphore(%run_scoped3A : memref<!tpu.dma_semaphore, #tpu.memory_space<semaphore_mem>>) src(%dma_wait3A_148 : memref<80x128xf32, #tpu.memory_space<hbm>>) dst(%arg7 : memref<80x128xf32, #tpu.memory_space<vmem>>)
      tpu.yield
    }) : () -> ()
    %mul3A_78 = arith.constant 2 : i32
    %mul3A_79 = arith.muli %mul3A_78, %arg0 : i32
    %add3A_80 = arith.constant 1 : i32
    %add3A_81 = arith.addi %mul3A_79, %add3A_80 : i32
    %mul3A_82 = arith.constant 128 : i32
    %mul3A_83 = arith.muli %add3A_81, %mul3A_82 : i32
    "tpu.region"() ({
      %run_scoped3A = tpu.sem_alloc : memref<!tpu.dma_semaphore, #tpu.memory_space<semaphore_mem>>
      %dma_start3A = tpu.memref_slice %arg2[%mul3A_73, %mul3A_83] : memref<10000x512xf32, #tpu.memory_space<hbm>> -> memref<80x128xf32, #tpu.memory_space<hbm>>
      %dma_start3A_147 = tpu.memref_slice %arg2[%mul3A_73, %mul3A_83] : memref<10000x512xf32, #tpu.memory_space<hbm>> -> memref<80x128xf32, #tpu.memory_space<hbm>>
      tpu.enqueue_dma source(%dma_start3A_147 : memref<80x128xf32, #tpu.memory_space<hbm>>) target(%arg8 : memref<80x128xf32, #tpu.memory_space<vmem>>) target_semaphore(%run_scoped3A : memref<!tpu.dma_semaphore, #tpu.memory_space<semaphore_mem>>)
      %dma_wait3A = tpu.memref_slice %arg2[%mul3A_73, %mul3A_83] : memref<10000x512xf32, #tpu.memory_space<hbm>> -> memref<80x128xf32, #tpu.memory_space<hbm>>
      %dma_wait3A_148 = tpu.memref_slice %arg2[%mul3A_73, %mul3A_83] : memref<10000x512xf32, #tpu.memory_space<hbm>> -> memref<80x128xf32, #tpu.memory_space<hbm>>
      tpu.wait_dma2 semaphore(%run_scoped3A : memref<!tpu.dma_semaphore, #tpu.memory_space<semaphore_mem>>) src(%dma_wait3A_148 : memref<80x128xf32, #tpu.memory_space<hbm>>) dst(%arg8 : memref<80x128xf32, #tpu.memory_space<vmem>>)
      tpu.yield
    }) : () -> ()
    "tpu.region"() ({
      %run_scoped3A = tpu.sem_alloc : memref<!tpu.dma_semaphore, #tpu.memory_space<semaphore_mem>>
      tpu.enqueue_dma source(%arg4 : memref<80x16xf32, #tpu.memory_space<hbm>>) target(%arg9 : memref<80x16xf32, #tpu.memory_space<vmem>>) target_semaphore(%run_scoped3A : memref<!tpu.dma_semaphore, #tpu.memory_space<semaphore_mem>>)
      tpu.wait_dma2 semaphore(%run_scoped3A : memref<!tpu.dma_semaphore, #tpu.memory_space<semaphore_mem>>) src(%arg4 : memref<80x16xf32, #tpu.memory_space<hbm>>) dst(%arg9 : memref<80x16xf32, #tpu.memory_space<vmem>>)
      tpu.yield
    }) : () -> ()
    "tpu.region"() ({
      %run_scoped3A = tpu.sem_alloc : memref<!tpu.dma_semaphore, #tpu.memory_space<semaphore_mem>>
      %dma_start3A = arith.constant 0 : i32
      %dma_start3A_147 = arith.constant 0 : i32
      %dma_start3A_148 = tpu.memref_slice %arg18[%dma_start3A, %dma_start3A_147] : memref<2048x128xf32, #tpu.memory_space<vmem_shared>> -> memref<2048x128xf32, #tpu.memory_space<vmem_shared>>
      tpu.enqueue_indirect_dma source(%arg7 : memref<80x128xf32, #tpu.memory_space<vmem>>) target(%dma_start3A_148 : memref<2048x128xf32, #tpu.memory_space<vmem_shared>>) offsets(%arg13 : memref<80xi32, #tpu.memory_space<vmem>>) semaphore(%run_scoped3A : memref<!tpu.dma_semaphore, #tpu.memory_space<semaphore_mem>>) {add = true}
      %dma_wait3A = arith.constant 0 : i32
      %dma_wait3A_149 = arith.constant 0 : i32
      %dma_wait3A_150 = tpu.memref_slice %arg18[%dma_wait3A, %dma_wait3A_149] : memref<2048x128xf32, #tpu.memory_space<vmem_shared>> -> memref<2048x128xf32, #tpu.memory_space<vmem_shared>>
      tpu.wait_indirect_dma semaphore(%run_scoped3A : memref<!tpu.dma_semaphore, #tpu.memory_space<semaphore_mem>>) src(%arg7 : memref<80x128xf32, #tpu.memory_space<vmem>>) dst(%dma_wait3A_150 : memref<2048x128xf32, #tpu.memory_space<vmem_shared>>)
      tpu.yield
    }) : () -> ()
    "tpu.region"() ({
      %run_scoped3A = tpu.sem_alloc : memref<!tpu.dma_semaphore, #tpu.memory_space<semaphore_mem>>
      %dma_start3A = arith.constant 0 : i32
      %dma_start3A_147 = arith.constant 0 : i32
      %dma_start3A_148 = tpu.memref_slice %arg19[%dma_start3A, %dma_start3A_147] : memref<2048x128xf32, #tpu.memory_space<vmem_shared>> -> memref<2048x128xf32, #tpu.memory_space<vmem_shared>>
      tpu.enqueue_indirect_dma source(%arg8 : memref<80x128xf32, #tpu.memory_space<vmem>>) target(%dma_start3A_148 : memref<2048x128xf32, #tpu.memory_space<vmem_shared>>) offsets(%arg13 : memref<80xi32, #tpu.memory_space<vmem>>) semaphore(%run_scoped3A : memref<!tpu.dma_semaphore, #tpu.memory_space<semaphore_mem>>) {add = true}
      %dma_wait3A = arith.constant 0 : i32
      %dma_wait3A_149 = arith.constant 0 : i32
      %dma_wait3A_150 = tpu.memref_slice %arg19[%dma_wait3A, %dma_wait3A_149] : memref<2048x128xf32, #tpu.memory_space<vmem_shared>> -> memref<2048x128xf32, #tpu.memory_space<vmem_shared>>
      tpu.wait_indirect_dma semaphore(%run_scoped3A : memref<!tpu.dma_semaphore, #tpu.memory_space<semaphore_mem>>) src(%arg8 : memref<80x128xf32, #tpu.memory_space<vmem>>) dst(%dma_wait3A_150 : memref<2048x128xf32, #tpu.memory_space<vmem_shared>>)
      tpu.yield
    }) : () -> ()
    "tpu.region"() ({
      %run_scoped3A = tpu.sem_alloc : memref<!tpu.dma_semaphore, #tpu.memory_space<semaphore_mem>>
      %dma_start3A = arith.constant 0 : i32
      %dma_start3A_147 = arith.constant 0 : i32
      %dma_start3A_148 = tpu.memref_slice %arg20[%dma_start3A, %dma_start3A_147] : memref<2048x16xf32, #tpu.memory_space<vmem_shared>> -> memref<2048x16xf32, #tpu.memory_space<vmem_shared>>
      tpu.enqueue_indirect_dma source(%arg9 : memref<80x16xf32, #tpu.memory_space<vmem>>) target(%dma_start3A_148 : memref<2048x16xf32, #tpu.memory_space<vmem_shared>>) offsets(%arg13 : memref<80xi32, #tpu.memory_space<vmem>>) semaphore(%run_scoped3A : memref<!tpu.dma_semaphore, #tpu.memory_space<semaphore_mem>>) {add = true}
      %dma_wait3A = arith.constant 0 : i32
      %dma_wait3A_149 = arith.constant 0 : i32
      %dma_wait3A_150 = tpu.memref_slice %arg20[%dma_wait3A, %dma_wait3A_149] : memref<2048x16xf32, #tpu.memory_space<vmem_shared>> -> memref<2048x16xf32, #tpu.memory_space<vmem_shared>>
      tpu.wait_indirect_dma semaphore(%run_scoped3A : memref<!tpu.dma_semaphore, #tpu.memory_space<semaphore_mem>>) src(%arg9 : memref<80x16xf32, #tpu.memory_space<vmem>>) dst(%dma_wait3A_150 : memref<2048x16xf32, #tpu.memory_space<vmem_shared>>)
      tpu.yield
    }) : () -> ()
    %add3A_84 = arith.constant 64 : i32
    %add3A_85 = arith.addi %add3A_84, %arg1 : i32
    %mul3A_86 = arith.constant 80 : i32
    %mul3A_87 = arith.muli %add3A_85, %mul3A_86 : i32
    %mul3A_88 = arith.constant 2 : i32
    %mul3A_89 = arith.muli %mul3A_88, %arg0 : i32
    %mul3A_90 = arith.constant 128 : i32
    %mul3A_91 = arith.muli %mul3A_89, %mul3A_90 : i32
    "tpu.region"() ({
      %run_scoped3A = tpu.sem_alloc : memref<!tpu.dma_semaphore, #tpu.memory_space<semaphore_mem>>
      %dma_start3A = tpu.memref_slice %arg2[%mul3A_87, %mul3A_91] : memref<10000x512xf32, #tpu.memory_space<hbm>> -> memref<80x128xf32, #tpu.memory_space<hbm>>
      %dma_start3A_147 = tpu.memref_slice %arg2[%mul3A_87, %mul3A_91] : memref<10000x512xf32, #tpu.memory_space<hbm>> -> memref<80x128xf32, #tpu.memory_space<hbm>>
      tpu.enqueue_dma source(%dma_start3A_147 : memref<80x128xf32, #tpu.memory_space<hbm>>) target(%arg7 : memref<80x128xf32, #tpu.memory_space<vmem>>) target_semaphore(%run_scoped3A : memref<!tpu.dma_semaphore, #tpu.memory_space<semaphore_mem>>)
      %dma_wait3A = tpu.memref_slice %arg2[%mul3A_87, %mul3A_91] : memref<10000x512xf32, #tpu.memory_space<hbm>> -> memref<80x128xf32, #tpu.memory_space<hbm>>
      %dma_wait3A_148 = tpu.memref_slice %arg2[%mul3A_87, %mul3A_91] : memref<10000x512xf32, #tpu.memory_space<hbm>> -> memref<80x128xf32, #tpu.memory_space<hbm>>
      tpu.wait_dma2 semaphore(%run_scoped3A : memref<!tpu.dma_semaphore, #tpu.memory_space<semaphore_mem>>) src(%dma_wait3A_148 : memref<80x128xf32, #tpu.memory_space<hbm>>) dst(%arg7 : memref<80x128xf32, #tpu.memory_space<vmem>>)
      tpu.yield
    }) : () -> ()
    %mul3A_92 = arith.constant 2 : i32
    %mul3A_93 = arith.muli %mul3A_92, %arg0 : i32
    %add3A_94 = arith.constant 1 : i32
    %add3A_95 = arith.addi %mul3A_93, %add3A_94 : i32
    %mul3A_96 = arith.constant 128 : i32
    %mul3A_97 = arith.muli %add3A_95, %mul3A_96 : i32
    "tpu.region"() ({
      %run_scoped3A = tpu.sem_alloc : memref<!tpu.dma_semaphore, #tpu.memory_space<semaphore_mem>>
      %dma_start3A = tpu.memref_slice %arg2[%mul3A_87, %mul3A_97] : memref<10000x512xf32, #tpu.memory_space<hbm>> -> memref<80x128xf32, #tpu.memory_space<hbm>>
      %dma_start3A_147 = tpu.memref_slice %arg2[%mul3A_87, %mul3A_97] : memref<10000x512xf32, #tpu.memory_space<hbm>> -> memref<80x128xf32, #tpu.memory_space<hbm>>
      tpu.enqueue_dma source(%dma_start3A_147 : memref<80x128xf32, #tpu.memory_space<hbm>>) target(%arg8 : memref<80x128xf32, #tpu.memory_space<vmem>>) target_semaphore(%run_scoped3A : memref<!tpu.dma_semaphore, #tpu.memory_space<semaphore_mem>>)
      %dma_wait3A = tpu.memref_slice %arg2[%mul3A_87, %mul3A_97] : memref<10000x512xf32, #tpu.memory_space<hbm>> -> memref<80x128xf32, #tpu.memory_space<hbm>>
      %dma_wait3A_148 = tpu.memref_slice %arg2[%mul3A_87, %mul3A_97] : memref<10000x512xf32, #tpu.memory_space<hbm>> -> memref<80x128xf32, #tpu.memory_space<hbm>>
      tpu.wait_dma2 semaphore(%run_scoped3A : memref<!tpu.dma_semaphore, #tpu.memory_space<semaphore_mem>>) src(%dma_wait3A_148 : memref<80x128xf32, #tpu.memory_space<hbm>>) dst(%arg8 : memref<80x128xf32, #tpu.memory_space<vmem>>)
      tpu.yield
    }) : () -> ()
    "tpu.region"() ({
      %run_scoped3A = tpu.sem_alloc : memref<!tpu.dma_semaphore, #tpu.memory_space<semaphore_mem>>
      tpu.enqueue_dma source(%arg4 : memref<80x16xf32, #tpu.memory_space<hbm>>) target(%arg9 : memref<80x16xf32, #tpu.memory_space<vmem>>) target_semaphore(%run_scoped3A : memref<!tpu.dma_semaphore, #tpu.memory_space<semaphore_mem>>)
      tpu.wait_dma2 semaphore(%run_scoped3A : memref<!tpu.dma_semaphore, #tpu.memory_space<semaphore_mem>>) src(%arg4 : memref<80x16xf32, #tpu.memory_space<hbm>>) dst(%arg9 : memref<80x16xf32, #tpu.memory_space<vmem>>)
      tpu.yield
    }) : () -> ()
    "tpu.region"() ({
      %run_scoped3A = tpu.sem_alloc : memref<!tpu.dma_semaphore, #tpu.memory_space<semaphore_mem>>
      %dma_start3A = arith.constant 0 : i32
      %dma_start3A_147 = arith.constant 0 : i32
      %dma_start3A_148 = tpu.memref_slice %arg18[%dma_start3A, %dma_start3A_147] : memref<2048x128xf32, #tpu.memory_space<vmem_shared>> -> memref<2048x128xf32, #tpu.memory_space<vmem_shared>>
      tpu.enqueue_indirect_dma source(%arg7 : memref<80x128xf32, #tpu.memory_space<vmem>>) target(%dma_start3A_148 : memref<2048x128xf32, #tpu.memory_space<vmem_shared>>) offsets(%arg14 : memref<80xi32, #tpu.memory_space<vmem>>) semaphore(%run_scoped3A : memref<!tpu.dma_semaphore, #tpu.memory_space<semaphore_mem>>) {add = true}
      %dma_wait3A = arith.constant 0 : i32
      %dma_wait3A_149 = arith.constant 0 : i32
      %dma_wait3A_150 = tpu.memref_slice %arg18[%dma_wait3A, %dma_wait3A_149] : memref<2048x128xf32, #tpu.memory_space<vmem_shared>> -> memref<2048x128xf32, #tpu.memory_space<vmem_shared>>
      tpu.wait_indirect_dma semaphore(%run_scoped3A : memref<!tpu.dma_semaphore, #tpu.memory_space<semaphore_mem>>) src(%arg7 : memref<80x128xf32, #tpu.memory_space<vmem>>) dst(%dma_wait3A_150 : memref<2048x128xf32, #tpu.memory_space<vmem_shared>>)
      tpu.yield
    }) : () -> ()
    "tpu.region"() ({
      %run_scoped3A = tpu.sem_alloc : memref<!tpu.dma_semaphore, #tpu.memory_space<semaphore_mem>>
      %dma_start3A = arith.constant 0 : i32
      %dma_start3A_147 = arith.constant 0 : i32
      %dma_start3A_148 = tpu.memref_slice %arg19[%dma_start3A, %dma_start3A_147] : memref<2048x128xf32, #tpu.memory_space<vmem_shared>> -> memref<2048x128xf32, #tpu.memory_space<vmem_shared>>
      tpu.enqueue_indirect_dma source(%arg8 : memref<80x128xf32, #tpu.memory_space<vmem>>) target(%dma_start3A_148 : memref<2048x128xf32, #tpu.memory_space<vmem_shared>>) offsets(%arg14 : memref<80xi32, #tpu.memory_space<vmem>>) semaphore(%run_scoped3A : memref<!tpu.dma_semaphore, #tpu.memory_space<semaphore_mem>>) {add = true}
      %dma_wait3A = arith.constant 0 : i32
      %dma_wait3A_149 = arith.constant 0 : i32
      %dma_wait3A_150 = tpu.memref_slice %arg19[%dma_wait3A, %dma_wait3A_149] : memref<2048x128xf32, #tpu.memory_space<vmem_shared>> -> memref<2048x128xf32, #tpu.memory_space<vmem_shared>>
      tpu.wait_indirect_dma semaphore(%run_scoped3A : memref<!tpu.dma_semaphore, #tpu.memory_space<semaphore_mem>>) src(%arg8 : memref<80x128xf32, #tpu.memory_space<vmem>>) dst(%dma_wait3A_150 : memref<2048x128xf32, #tpu.memory_space<vmem_shared>>)
      tpu.yield
    }) : () -> ()
    "tpu.region"() ({
      %run_scoped3A = tpu.sem_alloc : memref<!tpu.dma_semaphore, #tpu.memory_space<semaphore_mem>>
      %dma_start3A = arith.constant 0 : i32
      %dma_start3A_147 = arith.constant 0 : i32
      %dma_start3A_148 = tpu.memref_slice %arg20[%dma_start3A, %dma_start3A_147] : memref<2048x16xf32, #tpu.memory_space<vmem_shared>> -> memref<2048x16xf32, #tpu.memory_space<vmem_shared>>
      tpu.enqueue_indirect_dma source(%arg9 : memref<80x16xf32, #tpu.memory_space<vmem>>) target(%dma_start3A_148 : memref<2048x16xf32, #tpu.memory_space<vmem_shared>>) offsets(%arg14 : memref<80xi32, #tpu.memory_space<vmem>>) semaphore(%run_scoped3A : memref<!tpu.dma_semaphore, #tpu.memory_space<semaphore_mem>>) {add = true}
      %dma_wait3A = arith.constant 0 : i32
      %dma_wait3A_149 = arith.constant 0 : i32
      %dma_wait3A_150 = tpu.memref_slice %arg20[%dma_wait3A, %dma_wait3A_149] : memref<2048x16xf32, #tpu.memory_space<vmem_shared>> -> memref<2048x16xf32, #tpu.memory_space<vmem_shared>>
      tpu.wait_indirect_dma semaphore(%run_scoped3A : memref<!tpu.dma_semaphore, #tpu.memory_space<semaphore_mem>>) src(%arg9 : memref<80x16xf32, #tpu.memory_space<vmem>>) dst(%dma_wait3A_150 : memref<2048x16xf32, #tpu.memory_space<vmem_shared>>)
      tpu.yield
    }) : () -> ()
    %add3A_98 = arith.constant 80 : i32
    %add3A_99 = arith.addi %add3A_98, %arg1 : i32
    %mul3A_100 = arith.constant 80 : i32
    %mul3A_101 = arith.muli %add3A_99, %mul3A_100 : i32
    %mul3A_102 = arith.constant 2 : i32
    %mul3A_103 = arith.muli %mul3A_102, %arg0 : i32
    %mul3A_104 = arith.constant 128 : i32
    %mul3A_105 = arith.muli %mul3A_103, %mul3A_104 : i32
    "tpu.region"() ({
      %run_scoped3A = tpu.sem_alloc : memref<!tpu.dma_semaphore, #tpu.memory_space<semaphore_mem>>
      %dma_start3A = tpu.memref_slice %arg2[%mul3A_101, %mul3A_105] : memref<10000x512xf32, #tpu.memory_space<hbm>> -> memref<80x128xf32, #tpu.memory_space<hbm>>
      %dma_start3A_147 = tpu.memref_slice %arg2[%mul3A_101, %mul3A_105] : memref<10000x512xf32, #tpu.memory_space<hbm>> -> memref<80x128xf32, #tpu.memory_space<hbm>>
      tpu.enqueue_dma source(%dma_start3A_147 : memref<80x128xf32, #tpu.memory_space<hbm>>) target(%arg7 : memref<80x128xf32, #tpu.memory_space<vmem>>) target_semaphore(%run_scoped3A : memref<!tpu.dma_semaphore, #tpu.memory_space<semaphore_mem>>)
      %dma_wait3A = tpu.memref_slice %arg2[%mul3A_101, %mul3A_105] : memref<10000x512xf32, #tpu.memory_space<hbm>> -> memref<80x128xf32, #tpu.memory_space<hbm>>
      %dma_wait3A_148 = tpu.memref_slice %arg2[%mul3A_101, %mul3A_105] : memref<10000x512xf32, #tpu.memory_space<hbm>> -> memref<80x128xf32, #tpu.memory_space<hbm>>
      tpu.wait_dma2 semaphore(%run_scoped3A : memref<!tpu.dma_semaphore, #tpu.memory_space<semaphore_mem>>) src(%dma_wait3A_148 : memref<80x128xf32, #tpu.memory_space<hbm>>) dst(%arg7 : memref<80x128xf32, #tpu.memory_space<vmem>>)
      tpu.yield
    }) : () -> ()
    %mul3A_106 = arith.constant 2 : i32
    %mul3A_107 = arith.muli %mul3A_106, %arg0 : i32
    %add3A_108 = arith.constant 1 : i32
    %add3A_109 = arith.addi %mul3A_107, %add3A_108 : i32
    %mul3A_110 = arith.constant 128 : i32
    %mul3A_111 = arith.muli %add3A_109, %mul3A_110 : i32
    "tpu.region"() ({
      %run_scoped3A = tpu.sem_alloc : memref<!tpu.dma_semaphore, #tpu.memory_space<semaphore_mem>>
      %dma_start3A = tpu.memref_slice %arg2[%mul3A_101, %mul3A_111] : memref<10000x512xf32, #tpu.memory_space<hbm>> -> memref<80x128xf32, #tpu.memory_space<hbm>>
      %dma_start3A_147 = tpu.memref_slice %arg2[%mul3A_101, %mul3A_111] : memref<10000x512xf32, #tpu.memory_space<hbm>> -> memref<80x128xf32, #tpu.memory_space<hbm>>
      tpu.enqueue_dma source(%dma_start3A_147 : memref<80x128xf32, #tpu.memory_space<hbm>>) target(%arg8 : memref<80x128xf32, #tpu.memory_space<vmem>>) target_semaphore(%run_scoped3A : memref<!tpu.dma_semaphore, #tpu.memory_space<semaphore_mem>>)
      %dma_wait3A = tpu.memref_slice %arg2[%mul3A_101, %mul3A_111] : memref<10000x512xf32, #tpu.memory_space<hbm>> -> memref<80x128xf32, #tpu.memory_space<hbm>>
      %dma_wait3A_148 = tpu.memref_slice %arg2[%mul3A_101, %mul3A_111] : memref<10000x512xf32, #tpu.memory_space<hbm>> -> memref<80x128xf32, #tpu.memory_space<hbm>>
      tpu.wait_dma2 semaphore(%run_scoped3A : memref<!tpu.dma_semaphore, #tpu.memory_space<semaphore_mem>>) src(%dma_wait3A_148 : memref<80x128xf32, #tpu.memory_space<hbm>>) dst(%arg8 : memref<80x128xf32, #tpu.memory_space<vmem>>)
      tpu.yield
    }) : () -> ()
    "tpu.region"() ({
      %run_scoped3A = tpu.sem_alloc : memref<!tpu.dma_semaphore, #tpu.memory_space<semaphore_mem>>
      tpu.enqueue_dma source(%arg4 : memref<80x16xf32, #tpu.memory_space<hbm>>) target(%arg9 : memref<80x16xf32, #tpu.memory_space<vmem>>) target_semaphore(%run_scoped3A : memref<!tpu.dma_semaphore, #tpu.memory_space<semaphore_mem>>)
      tpu.wait_dma2 semaphore(%run_scoped3A : memref<!tpu.dma_semaphore, #tpu.memory_space<semaphore_mem>>) src(%arg4 : memref<80x16xf32, #tpu.memory_space<hbm>>) dst(%arg9 : memref<80x16xf32, #tpu.memory_space<vmem>>)
      tpu.yield
    }) : () -> ()
    "tpu.region"() ({
      %run_scoped3A = tpu.sem_alloc : memref<!tpu.dma_semaphore, #tpu.memory_space<semaphore_mem>>
      %dma_start3A = arith.constant 0 : i32
      %dma_start3A_147 = arith.constant 0 : i32
      %dma_start3A_148 = tpu.memref_slice %arg18[%dma_start3A, %dma_start3A_147] : memref<2048x128xf32, #tpu.memory_space<vmem_shared>> -> memref<2048x128xf32, #tpu.memory_space<vmem_shared>>
      tpu.enqueue_indirect_dma source(%arg7 : memref<80x128xf32, #tpu.memory_space<vmem>>) target(%dma_start3A_148 : memref<2048x128xf32, #tpu.memory_space<vmem_shared>>) offsets(%arg15 : memref<80xi32, #tpu.memory_space<vmem>>) semaphore(%run_scoped3A : memref<!tpu.dma_semaphore, #tpu.memory_space<semaphore_mem>>) {add = true}
      %dma_wait3A = arith.constant 0 : i32
      %dma_wait3A_149 = arith.constant 0 : i32
      %dma_wait3A_150 = tpu.memref_slice %arg18[%dma_wait3A, %dma_wait3A_149] : memref<2048x128xf32, #tpu.memory_space<vmem_shared>> -> memref<2048x128xf32, #tpu.memory_space<vmem_shared>>
      tpu.wait_indirect_dma semaphore(%run_scoped3A : memref<!tpu.dma_semaphore, #tpu.memory_space<semaphore_mem>>) src(%arg7 : memref<80x128xf32, #tpu.memory_space<vmem>>) dst(%dma_wait3A_150 : memref<2048x128xf32, #tpu.memory_space<vmem_shared>>)
      tpu.yield
    }) : () -> ()
    "tpu.region"() ({
      %run_scoped3A = tpu.sem_alloc : memref<!tpu.dma_semaphore, #tpu.memory_space<semaphore_mem>>
      %dma_start3A = arith.constant 0 : i32
      %dma_start3A_147 = arith.constant 0 : i32
      %dma_start3A_148 = tpu.memref_slice %arg19[%dma_start3A, %dma_start3A_147] : memref<2048x128xf32, #tpu.memory_space<vmem_shared>> -> memref<2048x128xf32, #tpu.memory_space<vmem_shared>>
      tpu.enqueue_indirect_dma source(%arg8 : memref<80x128xf32, #tpu.memory_space<vmem>>) target(%dma_start3A_148 : memref<2048x128xf32, #tpu.memory_space<vmem_shared>>) offsets(%arg15 : memref<80xi32, #tpu.memory_space<vmem>>) semaphore(%run_scoped3A : memref<!tpu.dma_semaphore, #tpu.memory_space<semaphore_mem>>) {add = true}
      %dma_wait3A = arith.constant 0 : i32
      %dma_wait3A_149 = arith.constant 0 : i32
      %dma_wait3A_150 = tpu.memref_slice %arg19[%dma_wait3A, %dma_wait3A_149] : memref<2048x128xf32, #tpu.memory_space<vmem_shared>> -> memref<2048x128xf32, #tpu.memory_space<vmem_shared>>
      tpu.wait_indirect_dma semaphore(%run_scoped3A : memref<!tpu.dma_semaphore, #tpu.memory_space<semaphore_mem>>) src(%arg8 : memref<80x128xf32, #tpu.memory_space<vmem>>) dst(%dma_wait3A_150 : memref<2048x128xf32, #tpu.memory_space<vmem_shared>>)
      tpu.yield
    }) : () -> ()
    "tpu.region"() ({
      %run_scoped3A = tpu.sem_alloc : memref<!tpu.dma_semaphore, #tpu.memory_space<semaphore_mem>>
      %dma_start3A = arith.constant 0 : i32
      %dma_start3A_147 = arith.constant 0 : i32
      %dma_start3A_148 = tpu.memref_slice %arg20[%dma_start3A, %dma_start3A_147] : memref<2048x16xf32, #tpu.memory_space<vmem_shared>> -> memref<2048x16xf32, #tpu.memory_space<vmem_shared>>
      tpu.enqueue_indirect_dma source(%arg9 : memref<80x16xf32, #tpu.memory_space<vmem>>) target(%dma_start3A_148 : memref<2048x16xf32, #tpu.memory_space<vmem_shared>>) offsets(%arg15 : memref<80xi32, #tpu.memory_space<vmem>>) semaphore(%run_scoped3A : memref<!tpu.dma_semaphore, #tpu.memory_space<semaphore_mem>>) {add = true}
      %dma_wait3A = arith.constant 0 : i32
      %dma_wait3A_149 = arith.constant 0 : i32
      %dma_wait3A_150 = tpu.memref_slice %arg20[%dma_wait3A, %dma_wait3A_149] : memref<2048x16xf32, #tpu.memory_space<vmem_shared>> -> memref<2048x16xf32, #tpu.memory_space<vmem_shared>>
      tpu.wait_indirect_dma semaphore(%run_scoped3A : memref<!tpu.dma_semaphore, #tpu.memory_space<semaphore_mem>>) src(%arg9 : memref<80x16xf32, #tpu.memory_space<vmem>>) dst(%dma_wait3A_150 : memref<2048x16xf32, #tpu.memory_space<vmem_shared>>)
      tpu.yield
    }) : () -> ()
    %add3A_112 = arith.constant 96 : i32
    %add3A_113 = arith.addi %add3A_112, %arg1 : i32
    %mul3A_114 = arith.constant 80 : i32
    %mul3A_115 = arith.muli %add3A_113, %mul3A_114 : i32
    %mul3A_116 = arith.constant 2 : i32
    %mul3A_117 = arith.muli %mul3A_116, %arg0 : i32
    %mul3A_118 = arith.constant 128 : i32
    %mul3A_119 = arith.muli %mul3A_117, %mul3A_118 : i32
    "tpu.region"() ({
      %run_scoped3A = tpu.sem_alloc : memref<!tpu.dma_semaphore, #tpu.memory_space<semaphore_mem>>
      %dma_start3A = tpu.memref_slice %arg2[%mul3A_115, %mul3A_119] : memref<10000x512xf32, #tpu.memory_space<hbm>> -> memref<80x128xf32, #tpu.memory_space<hbm>>
      %dma_start3A_147 = tpu.memref_slice %arg2[%mul3A_115, %mul3A_119] : memref<10000x512xf32, #tpu.memory_space<hbm>> -> memref<80x128xf32, #tpu.memory_space<hbm>>
      tpu.enqueue_dma source(%dma_start3A_147 : memref<80x128xf32, #tpu.memory_space<hbm>>) target(%arg7 : memref<80x128xf32, #tpu.memory_space<vmem>>) target_semaphore(%run_scoped3A : memref<!tpu.dma_semaphore, #tpu.memory_space<semaphore_mem>>)
      %dma_wait3A = tpu.memref_slice %arg2[%mul3A_115, %mul3A_119] : memref<10000x512xf32, #tpu.memory_space<hbm>> -> memref<80x128xf32, #tpu.memory_space<hbm>>
      %dma_wait3A_148 = tpu.memref_slice %arg2[%mul3A_115, %mul3A_119] : memref<10000x512xf32, #tpu.memory_space<hbm>> -> memref<80x128xf32, #tpu.memory_space<hbm>>
      tpu.wait_dma2 semaphore(%run_scoped3A : memref<!tpu.dma_semaphore, #tpu.memory_space<semaphore_mem>>) src(%dma_wait3A_148 : memref<80x128xf32, #tpu.memory_space<hbm>>) dst(%arg7 : memref<80x128xf32, #tpu.memory_space<vmem>>)
      tpu.yield
    }) : () -> ()
    %mul3A_120 = arith.constant 2 : i32
    %mul3A_121 = arith.muli %mul3A_120, %arg0 : i32
    %add3A_122 = arith.constant 1 : i32
    %add3A_123 = arith.addi %mul3A_121, %add3A_122 : i32
    %mul3A_124 = arith.constant 128 : i32
    %mul3A_125 = arith.muli %add3A_123, %mul3A_124 : i32
    "tpu.region"() ({
      %run_scoped3A = tpu.sem_alloc : memref<!tpu.dma_semaphore, #tpu.memory_space<semaphore_mem>>
      %dma_start3A = tpu.memref_slice %arg2[%mul3A_115, %mul3A_125] : memref<10000x512xf32, #tpu.memory_space<hbm>> -> memref<80x128xf32, #tpu.memory_space<hbm>>
      %dma_start3A_147 = tpu.memref_slice %arg2[%mul3A_115, %mul3A_125] : memref<10000x512xf32, #tpu.memory_space<hbm>> -> memref<80x128xf32, #tpu.memory_space<hbm>>
      tpu.enqueue_dma source(%dma_start3A_147 : memref<80x128xf32, #tpu.memory_space<hbm>>) target(%arg8 : memref<80x128xf32, #tpu.memory_space<vmem>>) target_semaphore(%run_scoped3A : memref<!tpu.dma_semaphore, #tpu.memory_space<semaphore_mem>>)
      %dma_wait3A = tpu.memref_slice %arg2[%mul3A_115, %mul3A_125] : memref<10000x512xf32, #tpu.memory_space<hbm>> -> memref<80x128xf32, #tpu.memory_space<hbm>>
      %dma_wait3A_148 = tpu.memref_slice %arg2[%mul3A_115, %mul3A_125] : memref<10000x512xf32, #tpu.memory_space<hbm>> -> memref<80x128xf32, #tpu.memory_space<hbm>>
      tpu.wait_dma2 semaphore(%run_scoped3A : memref<!tpu.dma_semaphore, #tpu.memory_space<semaphore_mem>>) src(%dma_wait3A_148 : memref<80x128xf32, #tpu.memory_space<hbm>>) dst(%arg8 : memref<80x128xf32, #tpu.memory_space<vmem>>)
      tpu.yield
    }) : () -> ()
    "tpu.region"() ({
      %run_scoped3A = tpu.sem_alloc : memref<!tpu.dma_semaphore, #tpu.memory_space<semaphore_mem>>
      tpu.enqueue_dma source(%arg4 : memref<80x16xf32, #tpu.memory_space<hbm>>) target(%arg9 : memref<80x16xf32, #tpu.memory_space<vmem>>) target_semaphore(%run_scoped3A : memref<!tpu.dma_semaphore, #tpu.memory_space<semaphore_mem>>)
      tpu.wait_dma2 semaphore(%run_scoped3A : memref<!tpu.dma_semaphore, #tpu.memory_space<semaphore_mem>>) src(%arg4 : memref<80x16xf32, #tpu.memory_space<hbm>>) dst(%arg9 : memref<80x16xf32, #tpu.memory_space<vmem>>)
      tpu.yield
    }) : () -> ()
    "tpu.region"() ({
      %run_scoped3A = tpu.sem_alloc : memref<!tpu.dma_semaphore, #tpu.memory_space<semaphore_mem>>
      %dma_start3A = arith.constant 0 : i32
      %dma_start3A_147 = arith.constant 0 : i32
      %dma_start3A_148 = tpu.memref_slice %arg18[%dma_start3A, %dma_start3A_147] : memref<2048x128xf32, #tpu.memory_space<vmem_shared>> -> memref<2048x128xf32, #tpu.memory_space<vmem_shared>>
      tpu.enqueue_indirect_dma source(%arg7 : memref<80x128xf32, #tpu.memory_space<vmem>>) target(%dma_start3A_148 : memref<2048x128xf32, #tpu.memory_space<vmem_shared>>) offsets(%arg16 : memref<80xi32, #tpu.memory_space<vmem>>) semaphore(%run_scoped3A : memref<!tpu.dma_semaphore, #tpu.memory_space<semaphore_mem>>) {add = true}
      %dma_wait3A = arith.constant 0 : i32
      %dma_wait3A_149 = arith.constant 0 : i32
      %dma_wait3A_150 = tpu.memref_slice %arg18[%dma_wait3A, %dma_wait3A_149] : memref<2048x128xf32, #tpu.memory_space<vmem_shared>> -> memref<2048x128xf32, #tpu.memory_space<vmem_shared>>
      tpu.wait_indirect_dma semaphore(%run_scoped3A : memref<!tpu.dma_semaphore, #tpu.memory_space<semaphore_mem>>) src(%arg7 : memref<80x128xf32, #tpu.memory_space<vmem>>) dst(%dma_wait3A_150 : memref<2048x128xf32, #tpu.memory_space<vmem_shared>>)
      tpu.yield
    }) : () -> ()
    "tpu.region"() ({
      %run_scoped3A = tpu.sem_alloc : memref<!tpu.dma_semaphore, #tpu.memory_space<semaphore_mem>>
      %dma_start3A = arith.constant 0 : i32
      %dma_start3A_147 = arith.constant 0 : i32
      %dma_start3A_148 = tpu.memref_slice %arg19[%dma_start3A, %dma_start3A_147] : memref<2048x128xf32, #tpu.memory_space<vmem_shared>> -> memref<2048x128xf32, #tpu.memory_space<vmem_shared>>
      tpu.enqueue_indirect_dma source(%arg8 : memref<80x128xf32, #tpu.memory_space<vmem>>) target(%dma_start3A_148 : memref<2048x128xf32, #tpu.memory_space<vmem_shared>>) offsets(%arg16 : memref<80xi32, #tpu.memory_space<vmem>>) semaphore(%run_scoped3A : memref<!tpu.dma_semaphore, #tpu.memory_space<semaphore_mem>>) {add = true}
      %dma_wait3A = arith.constant 0 : i32
      %dma_wait3A_149 = arith.constant 0 : i32
      %dma_wait3A_150 = tpu.memref_slice %arg19[%dma_wait3A, %dma_wait3A_149] : memref<2048x128xf32, #tpu.memory_space<vmem_shared>> -> memref<2048x128xf32, #tpu.memory_space<vmem_shared>>
      tpu.wait_indirect_dma semaphore(%run_scoped3A : memref<!tpu.dma_semaphore, #tpu.memory_space<semaphore_mem>>) src(%arg8 : memref<80x128xf32, #tpu.memory_space<vmem>>) dst(%dma_wait3A_150 : memref<2048x128xf32, #tpu.memory_space<vmem_shared>>)
      tpu.yield
    }) : () -> ()
    "tpu.region"() ({
      %run_scoped3A = tpu.sem_alloc : memref<!tpu.dma_semaphore, #tpu.memory_space<semaphore_mem>>
      %dma_start3A = arith.constant 0 : i32
      %dma_start3A_147 = arith.constant 0 : i32
      %dma_start3A_148 = tpu.memref_slice %arg20[%dma_start3A, %dma_start3A_147] : memref<2048x16xf32, #tpu.memory_space<vmem_shared>> -> memref<2048x16xf32, #tpu.memory_space<vmem_shared>>
      tpu.enqueue_indirect_dma source(%arg9 : memref<80x16xf32, #tpu.memory_space<vmem>>) target(%dma_start3A_148 : memref<2048x16xf32, #tpu.memory_space<vmem_shared>>) offsets(%arg16 : memref<80xi32, #tpu.memory_space<vmem>>) semaphore(%run_scoped3A : memref<!tpu.dma_semaphore, #tpu.memory_space<semaphore_mem>>) {add = true}
      %dma_wait3A = arith.constant 0 : i32
      %dma_wait3A_149 = arith.constant 0 : i32
      %dma_wait3A_150 = tpu.memref_slice %arg20[%dma_wait3A, %dma_wait3A_149] : memref<2048x16xf32, #tpu.memory_space<vmem_shared>> -> memref<2048x16xf32, #tpu.memory_space<vmem_shared>>
      tpu.wait_indirect_dma semaphore(%run_scoped3A : memref<!tpu.dma_semaphore, #tpu.memory_space<semaphore_mem>>) src(%arg9 : memref<80x16xf32, #tpu.memory_space<vmem>>) dst(%dma_wait3A_150 : memref<2048x16xf32, #tpu.memory_space<vmem_shared>>)
      tpu.yield
    }) : () -> ()
    %lt3A_126 = arith.constant 13 : i32
    %lt3A_127 = arith.cmpi slt, %arg1, %lt3A_126 : i32
    %convert_element_type3A_128 = arith.extui %lt3A_127 : i1 to i32
    %cond3A_129 = arith.constant 0 : i32
    %cond3A_130 = arith.cmpi ne, %convert_element_type3A_128, %cond3A_129 : i32
    scf.if %cond3A_130 {
      %add3A_147 = arith.constant 112 : i32
      %add3A_148 = arith.addi %add3A_147, %arg1 : i32
      %mul3A_149 = arith.constant 80 : i32
      %mul3A_150 = arith.muli %add3A_148, %mul3A_149 : i32
      %mul3A_151 = arith.constant 2 : i32
      %mul3A_152 = arith.muli %mul3A_151, %arg0 : i32
      %mul3A_153 = arith.constant 128 : i32
      %mul3A_154 = arith.muli %mul3A_152, %mul3A_153 : i32
      "tpu.region"() ({
        %run_scoped3A = tpu.sem_alloc : memref<!tpu.dma_semaphore, #tpu.memory_space<semaphore_mem>>
        %dma_start3A = tpu.memref_slice %arg2[%mul3A_150, %mul3A_154] : memref<10000x512xf32, #tpu.memory_space<hbm>> -> memref<80x128xf32, #tpu.memory_space<hbm>>
        %dma_start3A_161 = tpu.memref_slice %arg2[%mul3A_150, %mul3A_154] : memref<10000x512xf32, #tpu.memory_space<hbm>> -> memref<80x128xf32, #tpu.memory_space<hbm>>
        tpu.enqueue_dma source(%dma_start3A_161 : memref<80x128xf32, #tpu.memory_space<hbm>>) target(%arg7 : memref<80x128xf32, #tpu.memory_space<vmem>>) target_semaphore(%run_scoped3A : memref<!tpu.dma_semaphore, #tpu.memory_space<semaphore_mem>>)
        %dma_wait3A = tpu.memref_slice %arg2[%mul3A_150, %mul3A_154] : memref<10000x512xf32, #tpu.memory_space<hbm>> -> memref<80x128xf32, #tpu.memory_space<hbm>>
        %dma_wait3A_162 = tpu.memref_slice %arg2[%mul3A_150, %mul3A_154] : memref<10000x512xf32, #tpu.memory_space<hbm>> -> memref<80x128xf32, #tpu.memory_space<hbm>>
        tpu.wait_dma2 semaphore(%run_scoped3A : memref<!tpu.dma_semaphore, #tpu.memory_space<semaphore_mem>>) src(%dma_wait3A_162 : memref<80x128xf32, #tpu.memory_space<hbm>>) dst(%arg7 : memref<80x128xf32, #tpu.memory_space<vmem>>)
        tpu.yield
      }) : () -> ()
      %mul3A_155 = arith.constant 2 : i32
      %mul3A_156 = arith.muli %mul3A_155, %arg0 : i32
      %add3A_157 = arith.constant 1 : i32
      %add3A_158 = arith.addi %mul3A_156, %add3A_157 : i32
      %mul3A_159 = arith.constant 128 : i32
      %mul3A_160 = arith.muli %add3A_158, %mul3A_159 : i32
      "tpu.region"() ({
        %run_scoped3A = tpu.sem_alloc : memref<!tpu.dma_semaphore, #tpu.memory_space<semaphore_mem>>
        %dma_start3A = tpu.memref_slice %arg2[%mul3A_150, %mul3A_160] : memref<10000x512xf32, #tpu.memory_space<hbm>> -> memref<80x128xf32, #tpu.memory_space<hbm>>
        %dma_start3A_161 = tpu.memref_slice %arg2[%mul3A_150, %mul3A_160] : memref<10000x512xf32, #tpu.memory_space<hbm>> -> memref<80x128xf32, #tpu.memory_space<hbm>>
        tpu.enqueue_dma source(%dma_start3A_161 : memref<80x128xf32, #tpu.memory_space<hbm>>) target(%arg8 : memref<80x128xf32, #tpu.memory_space<vmem>>) target_semaphore(%run_scoped3A : memref<!tpu.dma_semaphore, #tpu.memory_space<semaphore_mem>>)
        %dma_wait3A = tpu.memref_slice %arg2[%mul3A_150, %mul3A_160] : memref<10000x512xf32, #tpu.memory_space<hbm>> -> memref<80x128xf32, #tpu.memory_space<hbm>>
        %dma_wait3A_162 = tpu.memref_slice %arg2[%mul3A_150, %mul3A_160] : memref<10000x512xf32, #tpu.memory_space<hbm>> -> memref<80x128xf32, #tpu.memory_space<hbm>>
        tpu.wait_dma2 semaphore(%run_scoped3A : memref<!tpu.dma_semaphore, #tpu.memory_space<semaphore_mem>>) src(%dma_wait3A_162 : memref<80x128xf32, #tpu.memory_space<hbm>>) dst(%arg8 : memref<80x128xf32, #tpu.memory_space<vmem>>)
        tpu.yield
      }) : () -> ()
      "tpu.region"() ({
        %run_scoped3A = tpu.sem_alloc : memref<!tpu.dma_semaphore, #tpu.memory_space<semaphore_mem>>
        tpu.enqueue_dma source(%arg4 : memref<80x16xf32, #tpu.memory_space<hbm>>) target(%arg9 : memref<80x16xf32, #tpu.memory_space<vmem>>) target_semaphore(%run_scoped3A : memref<!tpu.dma_semaphore, #tpu.memory_space<semaphore_mem>>)
        tpu.wait_dma2 semaphore(%run_scoped3A : memref<!tpu.dma_semaphore, #tpu.memory_space<semaphore_mem>>) src(%arg4 : memref<80x16xf32, #tpu.memory_space<hbm>>) dst(%arg9 : memref<80x16xf32, #tpu.memory_space<vmem>>)
        tpu.yield
      }) : () -> ()
      "tpu.region"() ({
        %run_scoped3A = tpu.sem_alloc : memref<!tpu.dma_semaphore, #tpu.memory_space<semaphore_mem>>
        %dma_start3A = arith.constant 0 : i32
        %dma_start3A_161 = arith.constant 0 : i32
        %dma_start3A_162 = tpu.memref_slice %arg18[%dma_start3A, %dma_start3A_161] : memref<2048x128xf32, #tpu.memory_space<vmem_shared>> -> memref<2048x128xf32, #tpu.memory_space<vmem_shared>>
        tpu.enqueue_indirect_dma source(%arg7 : memref<80x128xf32, #tpu.memory_space<vmem>>) target(%dma_start3A_162 : memref<2048x128xf32, #tpu.memory_space<vmem_shared>>) offsets(%arg17 : memref<80xi32, #tpu.memory_space<vmem>>) semaphore(%run_scoped3A : memref<!tpu.dma_semaphore, #tpu.memory_space<semaphore_mem>>) {add = true}
        %dma_wait3A = arith.constant 0 : i32
        %dma_wait3A_163 = arith.constant 0 : i32
        %dma_wait3A_164 = tpu.memref_slice %arg18[%dma_wait3A, %dma_wait3A_163] : memref<2048x128xf32, #tpu.memory_space<vmem_shared>> -> memref<2048x128xf32, #tpu.memory_space<vmem_shared>>
        tpu.wait_indirect_dma semaphore(%run_scoped3A : memref<!tpu.dma_semaphore, #tpu.memory_space<semaphore_mem>>) src(%arg7 : memref<80x128xf32, #tpu.memory_space<vmem>>) dst(%dma_wait3A_164 : memref<2048x128xf32, #tpu.memory_space<vmem_shared>>)
        tpu.yield
      }) : () -> ()
      "tpu.region"() ({
        %run_scoped3A = tpu.sem_alloc : memref<!tpu.dma_semaphore, #tpu.memory_space<semaphore_mem>>
        %dma_start3A = arith.constant 0 : i32
        %dma_start3A_161 = arith.constant 0 : i32
        %dma_start3A_162 = tpu.memref_slice %arg19[%dma_start3A, %dma_start3A_161] : memref<2048x128xf32, #tpu.memory_space<vmem_shared>> -> memref<2048x128xf32, #tpu.memory_space<vmem_shared>>
        tpu.enqueue_indirect_dma source(%arg8 : memref<80x128xf32, #tpu.memory_space<vmem>>) target(%dma_start3A_162 : memref<2048x128xf32, #tpu.memory_space<vmem_shared>>) offsets(%arg17 : memref<80xi32, #tpu.memory_space<vmem>>) semaphore(%run_scoped3A : memref<!tpu.dma_semaphore, #tpu.memory_space<semaphore_mem>>) {add = true}
        %dma_wait3A = arith.constant 0 : i32
        %dma_wait3A_163 = arith.constant 0 : i32
        %dma_wait3A_164 = tpu.memref_slice %arg19[%dma_wait3A, %dma_wait3A_163] : memref<2048x128xf32, #tpu.memory_space<vmem_shared>> -> memref<2048x128xf32, #tpu.memory_space<vmem_shared>>
        tpu.wait_indirect_dma semaphore(%run_scoped3A : memref<!tpu.dma_semaphore, #tpu.memory_space<semaphore_mem>>) src(%arg8 : memref<80x128xf32, #tpu.memory_space<vmem>>) dst(%dma_wait3A_164 : memref<2048x128xf32, #tpu.memory_space<vmem_shared>>)
        tpu.yield
      }) : () -> ()
      "tpu.region"() ({
        %run_scoped3A = tpu.sem_alloc : memref<!tpu.dma_semaphore, #tpu.memory_space<semaphore_mem>>
        %dma_start3A = arith.constant 0 : i32
        %dma_start3A_161 = arith.constant 0 : i32
        %dma_start3A_162 = tpu.memref_slice %arg20[%dma_start3A, %dma_start3A_161] : memref<2048x16xf32, #tpu.memory_space<vmem_shared>> -> memref<2048x16xf32, #tpu.memory_space<vmem_shared>>
        tpu.enqueue_indirect_dma source(%arg9 : memref<80x16xf32, #tpu.memory_space<vmem>>) target(%dma_start3A_162 : memref<2048x16xf32, #tpu.memory_space<vmem_shared>>) offsets(%arg17 : memref<80xi32, #tpu.memory_space<vmem>>) semaphore(%run_scoped3A : memref<!tpu.dma_semaphore, #tpu.memory_space<semaphore_mem>>) {add = true}
        %dma_wait3A = arith.constant 0 : i32
        %dma_wait3A_163 = arith.constant 0 : i32
        %dma_wait3A_164 = tpu.memref_slice %arg20[%dma_wait3A, %dma_wait3A_163] : memref<2048x16xf32, #tpu.memory_space<vmem_shared>> -> memref<2048x16xf32, #tpu.memory_space<vmem_shared>>
        tpu.wait_indirect_dma semaphore(%run_scoped3A : memref<!tpu.dma_semaphore, #tpu.memory_space<semaphore_mem>>) src(%arg9 : memref<80x16xf32, #tpu.memory_space<vmem>>) dst(%dma_wait3A_164 : memref<2048x16xf32, #tpu.memory_space<vmem_shared>>)
        tpu.yield
      }) : () -> ()
    } else {
    }
    %barrier3A_131 = arith.constant 0 : index
    tpu.barrier barrier_id(%barrier3A_131)
    %mul3A_132 = arith.constant 2 : i32
    %mul3A_133 = arith.muli %mul3A_132, %arg0 : i32
    %mul3A_134 = arith.constant 2048 : i32
    %mul3A_135 = arith.muli %mul3A_133, %mul3A_134 : i32
    %add3A_136 = arith.addi %mul3A_135, %mul3A_6 : i32
    "tpu.region"() ({
      %run_scoped3A = tpu.sem_alloc : memref<!tpu.dma_semaphore, #tpu.memory_space<semaphore_mem>>
      %dma_start3A = arith.constant 0 : i32
      %dma_start3A_147 = tpu.memref_slice %arg5[%add3A_136, %dma_start3A] : memref<8192x128xf32, #tpu.memory_space<hbm>> -> memref<128x128xf32, #tpu.memory_space<hbm>>
      %dma_start3A_148 = arith.constant 0 : i32
      %dma_start3A_149 = tpu.memref_slice %arg18[%mul3A_6, %dma_start3A_148] : memref<2048x128xf32, #tpu.memory_space<vmem_shared>> -> memref<128x128xf32, #tpu.memory_space<vmem_shared>>
      tpu.enqueue_dma source(%dma_start3A_149 : memref<128x128xf32, #tpu.memory_space<vmem_shared>>) target(%dma_start3A_147 : memref<128x128xf32, #tpu.memory_space<hbm>>) target_semaphore(%run_scoped3A : memref<!tpu.dma_semaphore, #tpu.memory_space<semaphore_mem>>)
      %dma_wait3A = arith.constant 0 : i32
      %dma_wait3A_150 = tpu.memref_slice %arg5[%add3A_136, %dma_wait3A] : memref<8192x128xf32, #tpu.memory_space<hbm>> -> memref<128x128xf32, #tpu.memory_space<hbm>>
      %dma_wait3A_151 = arith.constant 0 : i32
      %dma_wait3A_152 = tpu.memref_slice %arg18[%mul3A_6, %dma_wait3A_151] : memref<2048x128xf32, #tpu.memory_space<vmem_shared>> -> memref<128x128xf32, #tpu.memory_space<vmem_shared>>
      tpu.wait_dma2 semaphore(%run_scoped3A : memref<!tpu.dma_semaphore, #tpu.memory_space<semaphore_mem>>) src(%dma_wait3A_152 : memref<128x128xf32, #tpu.memory_space<vmem_shared>>) dst(%dma_wait3A_150 : memref<128x128xf32, #tpu.memory_space<hbm>>)
      tpu.yield
    }) : () -> ()
    %mul3A_137 = arith.constant 2 : i32
    %mul3A_138 = arith.muli %mul3A_137, %arg0 : i32
    %add3A_139 = arith.constant 1 : i32
    %add3A_140 = arith.addi %mul3A_138, %add3A_139 : i32
    %mul3A_141 = arith.constant 2048 : i32
    %mul3A_142 = arith.muli %add3A_140, %mul3A_141 : i32
    %add3A_143 = arith.addi %mul3A_142, %mul3A_6 : i32
    "tpu.region"() ({
      %run_scoped3A = tpu.sem_alloc : memref<!tpu.dma_semaphore, #tpu.memory_space<semaphore_mem>>
      %dma_start3A = arith.constant 0 : i32
      %dma_start3A_147 = tpu.memref_slice %arg5[%add3A_143, %dma_start3A] : memref<8192x128xf32, #tpu.memory_space<hbm>> -> memref<128x128xf32, #tpu.memory_space<hbm>>
      %dma_start3A_148 = arith.constant 0 : i32
      %dma_start3A_149 = tpu.memref_slice %arg19[%mul3A_6, %dma_start3A_148] : memref<2048x128xf32, #tpu.memory_space<vmem_shared>> -> memref<128x128xf32, #tpu.memory_space<vmem_shared>>
      tpu.enqueue_dma source(%dma_start3A_149 : memref<128x128xf32, #tpu.memory_space<vmem_shared>>) target(%dma_start3A_147 : memref<128x128xf32, #tpu.memory_space<hbm>>) target_semaphore(%run_scoped3A : memref<!tpu.dma_semaphore, #tpu.memory_space<semaphore_mem>>)
      %dma_wait3A = arith.constant 0 : i32
      %dma_wait3A_150 = tpu.memref_slice %arg5[%add3A_143, %dma_wait3A] : memref<8192x128xf32, #tpu.memory_space<hbm>> -> memref<128x128xf32, #tpu.memory_space<hbm>>
      %dma_wait3A_151 = arith.constant 0 : i32
      %dma_wait3A_152 = tpu.memref_slice %arg19[%mul3A_6, %dma_wait3A_151] : memref<2048x128xf32, #tpu.memory_space<vmem_shared>> -> memref<128x128xf32, #tpu.memory_space<vmem_shared>>
      tpu.wait_dma2 semaphore(%run_scoped3A : memref<!tpu.dma_semaphore, #tpu.memory_space<semaphore_mem>>) src(%dma_wait3A_152 : memref<128x128xf32, #tpu.memory_space<vmem_shared>>) dst(%dma_wait3A_150 : memref<128x128xf32, #tpu.memory_space<hbm>>)
      tpu.yield
    }) : () -> ()
    %mul3A_144 = arith.constant 2048 : i32
    %mul3A_145 = arith.muli %arg0, %mul3A_144 : i32
    %add3A_146 = arith.addi %mul3A_145, %mul3A_6 : i32
    "tpu.region"() ({
      %run_scoped3A = tpu.sem_alloc : memref<!tpu.dma_semaphore, #tpu.memory_space<semaphore_mem>>
      %dma_start3A = arith.constant 0 : i32
      %dma_start3A_147 = tpu.memref_slice %arg6[%add3A_146, %dma_start3A] : memref<4096x16xf32, #tpu.memory_space<hbm>> -> memref<128x16xf32, #tpu.memory_space<hbm>>
      %dma_start3A_148 = arith.constant 0 : i32
      %dma_start3A_149 = tpu.memref_slice %arg20[%mul3A_6, %dma_start3A_148] : memref<2048x16xf32, #tpu.memory_space<vmem_shared>> -> memref<128x16xf32, #tpu.memory_space<vmem_shared>>
      tpu.enqueue_dma source(%dma_start3A_149 : memref<128x16xf32, #tpu.memory_space<vmem_shared>>) target(%dma_start3A_147 : memref<128x16xf32, #tpu.memory_space<hbm>>) target_semaphore(%run_scoped3A : memref<!tpu.dma_semaphore, #tpu.memory_space<semaphore_mem>>)
      %dma_wait3A = arith.constant 0 : i32
      %dma_wait3A_150 = tpu.memref_slice %arg6[%add3A_146, %dma_wait3A] : memref<4096x16xf32, #tpu.memory_space<hbm>> -> memref<128x16xf32, #tpu.memory_space<hbm>>
      %dma_wait3A_151 = arith.constant 0 : i32
      %dma_wait3A_152 = tpu.memref_slice %arg20[%mul3A_6, %dma_wait3A_151] : memref<2048x16xf32, #tpu.memory_space<vmem_shared>> -> memref<128x16xf32, #tpu.memory_space<vmem_shared>>
      tpu.wait_dma2 semaphore(%run_scoped3A : memref<!tpu.dma_semaphore, #tpu.memory_space<semaphore_mem>>) src(%dma_wait3A_152 : memref<128x16xf32, #tpu.memory_space<vmem_shared>>) dst(%dma_wait3A_150 : memref<128x16xf32, #tpu.memory_space<hbm>>)
      tpu.yield
    }) : () -> ()
    return
  }
}

module attributes {stable_mosaic.version = 14 : i64} {
  func.func @_tc_pool_matmul_body(%arg0: i32, %arg1: memref<256x128xf32, #tpu.memory_space<vmem>>, %arg2: memref<256x128xf32, #tpu.memory_space<vmem>>, %arg3: memref<256x128xf32, #tpu.memory_space<vmem>>, %arg4: memref<256x128xf32, #tpu.memory_space<vmem>>, %arg5: memref<256x16xf32, #tpu.memory_space<vmem>>, %arg6: memref<512x512xf32, #tpu.memory_space<vmem>>, %arg7: memref<256x512xf32, #tpu.memory_space<vmem>>) attributes {dimension_semantics = [#tpu.dimension_semantics<arbitrary>], iteration_bounds = array<i64: 8>, scalar_prefetch = 0 : i64, scratch_operands = 0 : i64, tpu.core_type = #tpu.core_type<tc>, window_params = [{transform_indices = @transform_0, window_bounds = array<i64: 256, 128>}, {transform_indices = @transform_1, window_bounds = array<i64: 256, 128>}, {transform_indices = @transform_2, window_bounds = array<i64: 256, 128>}, {transform_indices = @transform_3, window_bounds = array<i64: 256, 128>}, {transform_indices = @transform_4, window_bounds = array<i64: 256, 16>}, {pipeline_mode = #tpu.pipeline_mode<synchronous>, transform_indices = @transform_5, window_bounds = array<i64: 512, 512>}, {transform_indices = @transform_6, window_bounds = array<i64: 256, 512>}]} {
    %get3A = arith.constant 0 : index
    %get3A_0 = arith.constant 0 : index
    %get3A_1 = vector.load %arg1[%get3A, %get3A_0] : memref<256x128xf32, #tpu.memory_space<vmem>>, vector<256x128xf32>
    %get3A_2 = arith.constant 0 : index
    %get3A_3 = arith.constant 0 : index
    %get3A_4 = vector.load %arg2[%get3A_2, %get3A_3] : memref<256x128xf32, #tpu.memory_space<vmem>>, vector<256x128xf32>
    %get3A_5 = arith.constant 0 : index
    %get3A_6 = arith.constant 0 : index
    %get3A_7 = vector.load %arg3[%get3A_5, %get3A_6] : memref<256x128xf32, #tpu.memory_space<vmem>>, vector<256x128xf32>
    %get3A_8 = arith.constant 0 : index
    %get3A_9 = arith.constant 0 : index
    %get3A_10 = vector.load %arg4[%get3A_8, %get3A_9] : memref<256x128xf32, #tpu.memory_space<vmem>>, vector<256x128xf32>
    %concatenate3A = tpu.concatenate %get3A_1, %get3A_4, %get3A_7, %get3A_10 in 1 : vector<256x128xf32>, vector<256x128xf32>, vector<256x128xf32>, vector<256x128xf32> -> vector<256x512xf32>
    %get3A_11 = arith.constant 0 : index
    %get3A_12 = arith.constant 0 : index
    %get3A_13 = vector.load %arg5[%get3A_11, %get3A_12] : memref<256x16xf32, #tpu.memory_space<vmem>>, vector<256x16xf32>
    %slice3A = vector.extract_strided_slice %get3A_13 {offsets = [0, 0], sizes = [256, 1], strides = [1, 1]} : vector<256x16xf32> to vector<256x1xf32>
    %max3A = arith.constant 1.000000e+00 : f32
    %max3A_14 = vector.broadcast %max3A : f32 to vector<256x1xf32>
    %max3A_15 = arith.maximumf %slice3A, %max3A_14 : vector<256x1xf32>
    %div3A = vector.broadcast %max3A_15 : vector<256x1xf32> to vector<256x512xf32>
    %div3A_16 = arith.divf %concatenate3A, %div3A : vector<256x512xf32>
    %get3A_17 = arith.constant 0 : index
    %get3A_18 = arith.constant 0 : index
    %get3A_19 = vector.load %arg6[%get3A_17, %get3A_18] : memref<512x512xf32, #tpu.memory_space<vmem>>, vector<512x512xf32>
    %dot_general3A = arith.constant dense<0.000000e+00> : vector<256x512xf32>
    %dot_general3A_20 = tpu.matmul %div3A_16, %get3A_19, %dot_general3A {dimension_numbers = #tpu.dot_dimension_numbers<[1], [0], [0], [1], [0, 0, 1, 1], [], []>, transpose_lhs_hint = false} : vector<256x512xf32>, vector<512x512xf32>, vector<256x512xf32> -> vector<256x512xf32>
    %swap3A = arith.constant 0 : index
    %swap3A_21 = arith.constant 0 : index
    %swap3A_22 = vector.load %arg7[%swap3A, %swap3A_21] : memref<256x512xf32, #tpu.memory_space<vmem>>, vector<256x512xf32>
    tpu.vector_store %arg7[%swap3A, %swap3A_21], %dot_general3A_20 {strides = array<i32>} : memref<256x512xf32, #tpu.memory_space<vmem>>, vector<256x512xf32>,
    return
  }
  func.func @transform_0(%arg0: i32) -> (i32, i32) {
    %add3A = arith.constant 0 : i32
    %add3A_0 = arith.addi %arg0, %add3A : i32
    %c0_i32 = arith.constant 0 : i32
    %c0_i32_1 = arith.constant 0 : i32
    return %add3A_0, %c0_i32 : i32, i32
  }
  func.func @transform_1(%arg0: i32) -> (i32, i32) {
    %add3A = arith.constant 8 : i32
    %add3A_0 = arith.addi %arg0, %add3A : i32
    %c0_i32 = arith.constant 0 : i32
    %c0_i32_1 = arith.constant 0 : i32
    return %add3A_0, %c0_i32 : i32, i32
  }
  func.func @transform_2(%arg0: i32) -> (i32, i32) {
    %add3A = arith.constant 16 : i32
    %add3A_0 = arith.addi %arg0, %add3A : i32
    %c0_i32 = arith.constant 0 : i32
    %c0_i32_1 = arith.constant 0 : i32
    return %add3A_0, %c0_i32 : i32, i32
  }
  func.func @transform_3(%arg0: i32) -> (i32, i32) {
    %add3A = arith.constant 24 : i32
    %add3A_0 = arith.addi %arg0, %add3A : i32
    %c0_i32 = arith.constant 0 : i32
    %c0_i32_1 = arith.constant 0 : i32
    return %add3A_0, %c0_i32 : i32, i32
  }
  func.func @transform_4(%arg0: i32) -> (i32, i32) {
    %c0_i32 = arith.constant 0 : i32
    %c0_i32_0 = arith.constant 0 : i32
    return %arg0, %c0_i32 : i32, i32
  }
  func.func @transform_5(%arg0: i32) -> (i32, i32) {
    %c0_i32 = arith.constant 0 : i32
    %c0_i32_0 = arith.constant 0 : i32
    %c0_i32_1 = arith.constant 0 : i32
    return %c0_i32, %c0_i32_0 : i32, i32
  }
  func.func @transform_6(%arg0: i32) -> (i32, i32) {
    %c0_i32 = arith.constant 0 : i32
    %c0_i32_0 = arith.constant 0 : i32
    return %arg0, %c0_i32 : i32, i32
  }
}

</mosaic_0001>

<sc_bundles>
// kernel: kernel.4.cloned.1.call-start
scs
__scs_entry_jumppad:
0x0: {  	(pc) =	sbr.rel $0x88, $3  }
0x1: {  	(tag) =	ssettag $0x0;
	lr =	simm.s32 $0x1  }
0x2: {  	[smem:$0x3F9E] =	sst lr;
	_ =	strace $0xD0000000  }
0x3: {  	_ = 	snop  }
0x4: {  	_ = 	snop  }
0x5: {  	_ = 	snop  }
0x6: {  	_ = 	snop  }
0x7: {  	_ = 	snop  }
__scs_overlays_trampoline_lowered:
0x8: {  	[smem:$0x3FAD] =	sst s0  }
0x9: {  	[smem:$0x3FAE] =	sst s1  }
0xa: {  	[smem:$0x3FAF] =	sst s2  }
0xb: {  	[smem:$0x3FB0] =	sst s3  }
0xc: {  	[smem:$0x3FB1] =	sst s4  }
0xd: {  	[smem:$0x3FB2] =	sst s5  }
0xe: {  	[smem:$0x3FB3] =	sst s6  }
0xf: {  	[smem:$0x3FB4] =	sst s7  }
0x10: {  	[smem:$0x3FB5] =	sst s8  }
0x11: {  	[smem:$0x3FB6] =	sst s9;
	s0 =	simm.s32 @!p0 $0x0  }
0x12: {  	s1 =	sld [smem:$0x3F9C];
	s0 =	simm.s32 @p0 $0x1  }
0x13: {  	[smem:$0x3FB7] =	sst s0;
	s0 =	simm.s32 @!p1 $0x0  }
0x14: {  	s2 =	sld [smem:$0x3F9B];
	s0 =	simm.s32 @p1 $0x1  }
0x15: {  	[smem:$0x3FB8] =	sst s0;
	s0 =	simm.s32 @!p2 $0x0  }
0x16: {  	s3 =	sld [smem:$0x3FDB];
	s0 =	simm.s32 @p2 $0x1  }
0x17: {  	s4 =	simm.s32 $0x1BF5;
	[smem:$0x3FBA] =	sst s0  }
0x18: {  	s0 =	sld [smem:$0x3F9D];
	_ =	swait.ge [sflag:s4], $0x0  }
0x19: {  	s7 =	sld [smem:$0x3F9E]  }
0x1a: {  	s8 =	sadd.s32 $0xFFFFE003, lr  }
0x1b: {  	s9 =	sadd.s32 $0xFFFFFEF7, lr;
	s5 =	simm.s32 $0xFFFFFFFF;
	p2 =	slt.u32 s8, $0xFFFFF086  }
0x1c: {  	p1 =	slt.u32 s9, $0xF7A;
	s5 =	simm.s32 @!p2 $0x0  }
0x1d: {  	s5 =	simm.s32 @p1 $0x1;
	p0 =	seq.s32 s7, s2  }
0x1e: {  	s7 =	smul.u32 @!p0 $0xF7A, s2;
	p2 =	seq.s32 @!p0 s5, $0x0  }
0x1f: {  	s9 =	smul.u32 $0xF7A, s1;
	s8 =	simm.s32 @!p0 $0x1BF5;
	p2 =	por !p2, p0  }
0x20: {  	[sflag:s8] =	ssyncset.s32 @!p0 $0xFFFFF086;
	s6 =	sadd.s32 @!p0 s3, s7;
	s7 =	simm.s32 @!p0 $0x108  }
0x21: {  	s3 =	sadd.s32 s3, s9;
	s6 =	sadd.s32 @!p0 $0x88, s6;
	s7 =	simm.s32 @p2 $0x1082  }
0x22: {  	[simem:s7], [sflag:s8] =	dma.local @!p0 [hbm:s6], $0xF7A  }
0x23: {  	s9 =	sor.u32 $0xD0000000, s2;
	s6 =	simm.s32 $0x108;
	_ =	swait.ge @!p0 [sflag:s8], $0x0  }
0x24: {  	s3 =	sadd.s32 $0x88, s3;
	s6 =	simm.s32 @!p1 $0x1082;
	[sflag:s4] =	ssyncset.s32 $0xFFFFF086  }
0x25: {  	[simem:s6], [sflag:s4] =	dma.local [hbm:s3], $0xF7A  }
0x26: {  	[smem:$0x3F9E] =	sst s1;
	(tag) =	ssettag s2;
	_ =	strace s9  }
0x27: {  	s1 =	sld [smem:$0x3FAE]  }
0x28: {  	s2 =	sld [smem:$0x3FAF]  }
0x29: {  	s4 =	sld [smem:$0x3FB1]  }
0x2a: {  	p0 =	seq.s32 s5, $0x0;
	s5 =	sld [smem:$0x3FB2]  }
0x2b: {  	s6 =	sld [smem:$0x3FB3]  }
0x2c: {  	s7 =	sld [smem:$0x3FB4]  }
0x2d: {  	s3 =	simm.s32 $0x108;
	s8 =	sld [smem:$0x3FB5]  }
0x2e: {  	s3 =	simm.s32 @!p0 $0x1082;
	s9 =	sld [smem:$0x3FB6]  }
0x2f: {  	lr =	sadd.s32 s0, s3;
	s0 =	sld [smem:$0x3FAD]  }
0x30: {  	s3 =	sld [smem:$0x3FB0]  }
0x31: {  	[smem:$0x3FB9] =	sst s10  }
0x32: {  	s10 =	sld [smem:$0x3FB7];
	_ =	sdelay $0x3  }
0x33: {  	p0 =	seq.s32 s10, $0x1;
	s10 =	sld [smem:$0x3FB9];
	_ =	sdelay $0x3  }
0x34: {  	[smem:$0x3FB9] =	sst s10  }
0x35: {  	s10 =	sld [smem:$0x3FB8];
	_ =	sdelay $0x3  }
0x36: {  	p1 =	seq.s32 s10, $0x1;
	s10 =	sld [smem:$0x3FB9];
	_ =	sdelay $0x3  }
0x37: {  	[smem:$0x3FB9] =	sst s10  }
0x38: {  	s10 =	sld [smem:$0x3FBA]  }
0x39: {  	_ = 	snop;
	(pc) =	sbr.ind lr, $3  }
0x3a: {  	_ = 	snop  }
0x3b: {  	_ = 	snop  }
0x3c: {  	p2 =	seq.s32 s10, $0x1;
	s10 =	sld [smem:$0x3FB9]  }
0x3d: {  	_ =	shalt  }
0x3e: {  	_ =	shalt  }
0x3f: {  	_ =	shalt  }
0x40: {  	_ =	shalt  }
0x41: {  	_ =	shalt  }
0x42: {  	_ =	shalt  }
0x43: {  	_ =	shalt  }
0x44: {  	_ =	shalt  }
0x45: {  	_ =	shalt  }
0x46: {  	_ =	shalt  }
0x47: {  	_ =	shalt  }
0x48: {  	_ =	shalt  }
0x49: {  	_ =	shalt  }
0x4a: {  	_ =	shalt  }
0x4b: {  	_ =	shalt  }
0x4c: {  	_ =	shalt  }
0x4d: {  	_ =	shalt  }
0x4e: {  	_ =	shalt  }
0x4f: {  	_ =	shalt  }
0x50: {  	_ =	shalt  }
0x51: {  	_ =	shalt  }
0x52: {  	_ =	shalt  }
0x53: {  	_ =	shalt  }
0x54: {  	_ =	shalt  }
0x55: {  	_ =	shalt  }
0x56: {  	_ =	shalt  }
0x57: {  	_ =	shalt  }
0x58: {  	_ =	shalt  }
0x59: {  	_ =	shalt  }
0x5a: {  	_ =	shalt  }
0x5b: {  	_ =	shalt  }
0x5c: {  	_ =	shalt  }
0x5d: {  	_ =	shalt  }
0x5e: {  	_ =	shalt  }
0x5f: {  	_ =	shalt  }
0x60: {  	_ =	shalt  }
0x61: {  	_ =	shalt  }
0x62: {  	_ =	shalt  }
0x63: {  	_ =	shalt  }
0x64: {  	_ =	shalt  }
0x65: {  	_ =	shalt  }
0x66: {  	_ =	shalt  }
0x67: {  	_ =	shalt  }
0x68: {  	_ =	shalt  }
0x69: {  	_ =	shalt  }
0x6a: {  	_ =	shalt  }
0x6b: {  	_ =	shalt  }
0x6c: {  	_ =	shalt  }
0x6d: {  	_ =	shalt  }
0x6e: {  	_ =	shalt  }
0x6f: {  	_ =	shalt  }
0x70: {  	_ =	shalt  }
0x71: {  	_ =	shalt  }
0x72: {  	_ =	shalt  }
0x73: {  	_ =	shalt  }
0x74: {  	_ =	shalt  }
0x75: {  	_ =	shalt  }
0x76: {  	_ =	shalt  }
0x77: {  	_ =	shalt  }
0x78: {  	_ =	shalt  }
0x79: {  	_ =	shalt  }
0x7a: {  	_ =	shalt  }
0x7b: {  	_ =	shalt  }
0x7c: {  	_ =	shalt  }
0x7d: {  	_ =	shalt  }
0x7e: {  	_ =	shalt  }
0x7f: {  	_ =	shalt  }
0x80: {  	_ =	shalt  }
0x81: {  	_ =	shalt  }
0x82: {  	_ =	shalt  }
0x83: {  	_ =	shalt  }
0x84: {  	_ =	shalt  }
0x85: {  	_ =	shalt  }
0x86: {  	_ =	shalt  }
0x87: {  	_ =	shalt  }
.Lfunc_end0:
.L_simem_size_0:
called_computation_lowered:
.L_overlay_start_0:
0x88: {  	s2 =	sld [smem:$0x3FD9]  }
0x89: {  	s3 =	sld [smem:$0x3FFE];
	_ =	sdelay $0x1  }
0x8a: {  	s1 =	srdreg.scid  }
0x8b: {  	s0 =	sand.u32 $0x1, s1  }
0x8c: {  	s17 =	sshll.u32 s0, $0xA;
	s2 =	sadd.s32 s3, s2  }
0x8d: {  	s2 =	sadd.s32 s2, s17  }
0x8e: {  	[smem:$0x3FC5] =	sst s2  }
0x8f: {  	_ = 	snop  }
0x90: {  	s2 =	sld [smem:$0x3FC9]  }
0x91: {  	s18 =	sld [smem:$0x3FD0];
	(tm) =	ssettm $0x1  }
0x92: {  	s4 =	sld [smem:$0x3FFB];
	_ =	sdelay $0x3  }
0x93: {  	_ =	strace s4  }
0x94: {  	s4 =	sld [smem:$0x3FFC];
	_ =	sdelay $0x3  }
0x95: {  	_ =	strace s4  }
0x96: {  	s4 =	sld [smem:$0x3FFD];
	_ =	sdelay $0x3  }
0x97: {  	_ =	strace s4  }
0x98: {  	_ =	strace $0x8FFFFFFF  }
0x99: {  	s19 =	sld [smem:$0x3FDB];
	_ =	sdelay $0x1  }
0x9a: {  	s5 =	simm.s32 $_scs_section_size  }
0x9b: {  	s6 =	simm.s32 $_size__tile_overlayer_lowered;
	s7 =	simm.s32 $_tile_overlayer_lowered  }
0x9c: {  	s22 =	simm.s32 $0x1BFF;
	s21 =	sshll.u32 s7, $0x1;
	s4 =	sadd.s32 s5, s19  }
0x9d: {  	s8 =	simm.s32 $0x0;
	s20 =	sshll.u32 s6, $0x1;
	s6 =	sadd.s32 s21, s4  }
0x9e: {  	[timem:s8], [sflag:s22] =	dma.local [hbm:s6], s20  }
0x9f: {  	_ =	swait.ge [sflag:s22], s20  }
0xa0: {  	s5 =	ssub.s32 $0x0, s20;
	[sflag:s22] =	ssyncset.done $0x0  }
0xa1: {  	[sflag:s22] =	ssyncadd.s32 s5;
	_ =	sdelay $0x1  }
0xa2: {  	s23 =	simm.s32 $0x1B8B  }
0xa3: {  	_ =	swait.ge [sflag:s23], $0x1  }
0xa4: {  	[sflag:s23] =	ssyncset.done $0x0  }
0xa5: {  	s25 =	simm.s32 $0x1B8E;
	s24 =	sld [smem:$0x3FFE];
	[sflag:s23] =	ssyncadd.s32 $0xFFFFFFFF  }
0xa6: {  	s26 =	simm.s32 $execute0_lowered;
	[smem:$0x3FD2] =	sst s25  }
0xa7: {  	s6 =	sshll.u32 s26, $0x1;
	_ =	strace $0x80000046;
	[dreg:$0x1] =	wrdreg $0xFFFFFFFF  }
0xa8: {  	s28 =	simm.s32 $_size_execute0_lowered;
	s4 =	sadd.s32 s4, s6;
	[dreg:$0x0] =	wrdreg $0x0  }
0xa9: {  	s6 =	sshll.u32 s28, $0x1;
	[dreg:$0x2] =	wrdreg s4  }
0xaa: {  	[dreg:$0x3] =	wrdreg s6  }
0xab: {  	[dreg:$0x4] =	wrdreg $0xC0  }
0xac: {  	_ =	task [dreg:s8], $0x5FFFF  }
0xad: {  	[dreg:$0x1] =	wrdreg $0xFFFFFFFF  }
0xae: {  	[dreg:$0x0] =	wrdreg $0x60  }
0xaf: {  	[dreg:$0x2] =	wrdreg s2  }
0xb0: {  	[dreg:$0x3] =	wrdreg s24  }
0xb1: {  	[dreg:$0x4] =	wrdreg s18  }
0xb2: {  	[dreg:$0x5] =	wrdreg $0x7C000  }
0xb3: {  	[dreg:$0x6] =	wrdreg $0xBC000  }
0xb4: {  	[dreg:$0x7] =	wrdreg $0xFC000  }
0xb5: {  	[dreg:$0x8] =	wrdreg $0x9  }
0xb6: {  	_ =	task.clear_ibuf [dreg:s8], $0x9FFFF;
	_ =	strace $0x90000046  }
0xb7: {  	s29 =	simm.s32 $0x9;
	_ =	strace $0x80000048  }
0xb8: {  	_ =	swait.ge [sflag:s29], $0x1  }
0xb9: {  	[sflag:s29] =	ssyncadd.s32 $0xFFFFFFFF  }
0xba: {  	_ =	strace $0x90000048  }
0xbb: {  	_ =	sfence  }
0xbc: {  	s30 =	sld [smem:$0x0];
	_ =	sdelay $0x2  }
0xbd: {  	s31 =	sshll.u32 s1, $0xD;
	s1 =	sshrl.u32 s1, $0x2  }
0xbe: {  	s3 =	sand.u32 $0x4000, s31;
	s1 =	sadd.s32 s1, s30  }
0xbf: {  	s0 =	sor.u32 s3, s0;
	s1 =	sshll.u32 s1, $0x11  }
0xc0: {  	s0 =	sor.u32 s1, s0  }
0xc1: {  	s0 =	sadd.s32 $0x8F2B, s0  }
0xc2: {  	[sflag:s0] =	ssyncadd.remote.s32 $0x1  }
0xc3: {  	_ =	sfence.sel $0xFFFF  }
0xc4: {  	[dreg:$0x0] =	wrdreg $0xFFFFFFFF;
	(pc) =	sbr.abs _section_cstart, $3  }
0xc5: {  	[dreg:$0x1] =	wrdreg $0xFFFFFFFF  }
0xc6: {  	_ =	task.clear_ibuf [dreg:s8], $0x2FFFF;
	_ =	strace $0x9FFFFFFF  }
0xc7: {  	(tm) =	ssettm $0x7FFFFFFF  }
tec
execute0_lowered:
.L_overlay_start_1:
0x0: {  	(tag) =	ssettag $0x1  }
0x1: {  	s0 =	srdreg.scid;
	s28 =	rddreg [dreg:$0x4]  }
0x2: {  	s23 =	stileid.u32;
	s29 =	rddreg [dreg:$0x5]  }
0x3: {  	s1 =	sand.u32 $0x1, s0;
	s0 =	rddreg [dreg:$0x1];
	s5 =	sshll.u32 s23, $0x7  }
0x4: {  	s15 =	sshll.u32 s23, $0x4;
	s16 =	sor.u32 $0x10, s23;
	s17 =	sor.u32 $0x20, s23  }
0x5: {  	s9 =	sor.u32 $0x30, s23;
	s20 =	sor.u32 $0x40, s23;
	s21 =	sor.u32 $0x50, s23  }
0x6: {  	s12 =	sor.u32 $0x60, s23;
	s26 =	smul.u32 $0xA000, s23;
	p0 =	sgt.u32 s23, $0xC  }
0x7: {  	s2 =	ssub.s32 $0x2, s1;
	s3 =	sadd.s32 $0xE00, s0;
	s14 =	sand.u32 $0x380, s5  }
0x8: {  	s6 =	sshll.u32 s16, $0x7;
	s8 =	sshll.u32 s17, $0x7;
	s10 =	sshll.u32 s9, $0x7  }
0x9: {  	s22 =	sshll.u32 s20, $0x7;
	s11 =	sshll.u32 s21, $0x7;
	s5 =	smul.u32 $0xA000, s17  }
0xa: {  	s13 =	sshll.u32 s12, $0x7;
	s30 =	sshll.u32 s1, $0xB;
	s9 =	smul.u32 $0xA000, s9  }
0xb: {  	s12 =	smul.u32 $0xA000, s12;
	s4 =	sshrl.u32 s2, $0x1;
	s24 =	sadd.s32 s3, s15  }
0xc: {  	s6 =	sand.u32 $0xC00, s6;
	s8 =	sand.u32 $0x1400, s8;
	s10 =	sand.u32 $0x1C00, s10  }
0xd: {  	s11 =	sand.u32 $0x2C00, s11;
	s13 =	sand.u32 $0x3400, s13;
	s7 =	ssub.s32 s2, s4  }
0xe: {  	s6 =	sor.u32 s14, s6;
	s8 =	sor.u32 s14, s8;
	s10 =	sor.u32 s14, s10  }
0xf: {  	s11 =	sor.u32 s14, s11;
	s2 =	sor.u32 s14, s13;
	s4 =	smul.u32 $0xA000, s16  }
0x10: {  	s16 =	sor.u32 s30, s5;
	s17 =	sor.u32 s30, s9;
	s6 =	sshrl.u32 s6, $0x3  }
0x11: {  	s8 =	sshrl.u32 s8, $0x3;
	s19 =	sshrl.u32 s10, $0x3;
	s10 =	sand.u32 $0x2400, s22  }
0x12: {  	s11 =	sshrl.u32 s11, $0x3;
	s2 =	sshrl.u32 s2, $0x3;
	s6 =	sadd.s32 s3, s6  }
0x13: {  	s18 =	sadd.s32 s3, s8;
	s8 =	smul.u32 $0xA000, s21;
	s21 =	rddreg [dreg:$0x0]  }
0x14: {  	s22 =	sor.u32 s30, s26;
	s10 =	sor.u32 s14, s10;
	[dreg:$0x7] =	wrdreg s6  }
0x15: {  	s25 =	sadd.s32 s3, s11;
	s2 =	sadd.s32 s3, s2;
	[dreg:$0x8] =	wrdreg s18  }
0x16: {  	s13 =	sshrl.u32 s22, $0x3;
	s15 =	sor.u32 s30, s4;
	[dreg:$0xb] =	wrdreg s25  }
0x17: {  	s6 =	sadd.s32 s3, s19;
	s10 =	sshrl.u32 s10, $0x3;
	[dreg:$0xc] =	wrdreg s2  }
0x18: {  	s2 =	sshllo.u32 s1, $0x1;
	s25 =	sadd.s32 s21, s13;
	[dreg:$0x9] =	wrdreg s6  }
0x19: {  	s10 =	sadd.s32 s3, s10;
	s31 =	sshll.u32 s2, $0xA;
	s6 =	smul.u32 $0xA000, s20  }
0x1a: {  	s19 =	sor.u32 s30, s8;
	s3 =	sadd.s32 $0x460000, s26;
	[dreg:$0xd] =	wrdreg s25  }
0x1b: {  	s20 =	sor.u32 s30, s12;
	s2 =	sshll.u32 s2, $0x12;
	[dreg:$0xa] =	wrdreg s10  }
0x1c: {  	s14 =	sor.u32 s26, s31;
	s4 =	sor.u32 s4, s31;
	s5 =	sor.u32 s5, s31  }
0x1d: {  	s9 =	sor.u32 s9, s31;
	s8 =	sor.u32 s8, s31;
	s12 =	sor.u32 s12, s31  }
0x1e: {  	s10 =	sor.u32 s30, s3;
	s3 =	sor.u32 s3, s31;
	s19 =	sshrl.u32 s19, $0x3  }
0x1f: {  	s14 =	sshrl.u32 s14, $0x3;
	s18 =	sor.u32 s30, s6;
	s6 =	sor.u32 s6, s31  }
0x20: {  	s30 =	sshrl.u32 s15, $0x3;
	s4 =	sshrl.u32 s4, $0x3;
	s25 =	sadd.s32 s21, s19  }
0x21: {  	s31 =	sshrl.u32 s16, $0x3;
	s13 =	sshrl.u32 s5, $0x3;
	[dreg:$0x17] =	wrdreg s25  }
0x22: {  	s9 =	sshrl.u32 s9, $0x3;
	s26 =	sadd.s32 s21, s14;
	s25 =	rddreg [dreg:$0x3]  }
0x23: {  	s3 =	sshrl.u32 s3, $0x3;
	s11 =	sadd.s32 s21, s30;
	[dreg:$0xe] =	wrdreg s26  }
0x24: {  	s4 =	sadd.s32 s21, s4;
	s14 =	sshrl.u32 s17, $0x3;
	[dreg:$0xf] =	wrdreg s11  }
0x25: {  	s16 =	sadd.s32 s21, s9;
	s17 =	sshrl.u32 s18, $0x3;
	[dreg:$0x10] =	wrdreg s4  }
0x26: {  	s18 =	sshrl.u32 s6, $0x3;
	s3 =	sadd.s32 s21, s3;
	[dreg:$0x14] =	wrdreg s16  }
0x27: {  	s30 =	sshrl.u32 s20, $0x3;
	s6 =	smov.u32 s24;
	[dreg:$0x1c] =	wrdreg s3  }
0x28: {  	s11 =	sadd.s32 s21, s31;
	s31 =	sshrl.u32 s12, $0x3;
	s12 =	rddreg [dreg:$0x2]  }
0x29: {  	s4 =	sadd.s32 s21, s13;
	s15 =	sadd.s32 s21, s14;
	[dreg:$0x11] =	wrdreg s11  }
0x2a: {  	s22 =	sadd.s32 s21, s18;
	s26 =	sshrl.u32 s8, $0x3;
	[dreg:$0x12] =	wrdreg s4  }
0x2b: {  	s8 =	sadd.s32 s21, s30;
	s13 =	sshll.u32 s23, $0xE;
	[dreg:$0x13] =	wrdreg s15  }
0x2c: {  	s14 =	sshll.u32 s1, $0x12;
	s1 =	sshll.u32 s1, $0x13;
	[dreg:$0x16] =	wrdreg s22  }
0x2d: {  	s23 =	simm.s32 $0x0;
	s4 =	sadd.s32 s21, s17;
	[dreg:$0x19] =	wrdreg s8  }
0x2e: {  	s9 =	sadd.s32 s21, s31;
	s11 =	sshrl.u32 s10, $0x3;
	s22 =	simm.s32 $0x0  }
0x2f: {  	s5 =	sor.u32 s13, s14;
	s1 =	sor.u32 s13, s1;
	s2 =	sor.u32 s13, s2  }
0x30: {  	s18 =	sor.u32 $0x2800, s13;
	s31 =	smax.u32 s7, $0x1;
	[dreg:$0x15] =	wrdreg s4  }
0x31: {  	s8 =	sadd.s32 $0x700, s24;
	s10 =	simm.s32 $0x5000;
	[dreg:$0x1a] =	wrdreg s9  }
0x32: {  	s14 =	simm.s32 $0x7980;
	s4 =	sadd.s32 s21, s26;
	[smem:$0x7FF] =	sst s22  }
0x33: {  	s1 =	sshrl.u32 s1, $0x3;
	s15 =	sshrl.u32 s2, $0x3;
	s16 =	sshrl.u32 s5, $0x3  }
0x34: {  	s26 =	sadd.s32 $0x1600, s0;
	s2 =	sadd.s32 s13, s29;
	s19 =	sadd.s32 s18, s25  }
0x35: {  	s20 =	sadd.s32 s18, s28;
	[dreg:$0x18] =	wrdreg s4;
	s4 =	sadd.s32 s21, s11  }
0x36: {  	s9 =	simm.s32 $0x1;
	s1 =	sadd.s32 s12, s1;
	[dreg:$0x1b] =	wrdreg s4  }
0x37: {  	s17 =	sadd.s32 s16, s0;
	[dreg:$0x1d] =	wrdreg s1;
	s1 =	sadd.s32 s12, s15  }
0x38: {  	s0 =	sadd.s32 s13, s25;
	s21 =	sadd.s32 s18, s29;
	[dreg:$0x1e] =	wrdreg s1  }
0x39: {  	s11 =	simm.s32 $0x7800;
	_ =	strace $0x80000047;
	[dreg:$0x1f] =	wrdreg s19  }
0x3a: {  	s16 =	simm.s32 $0x7A80;
	s18 =	simm.s32 $0x400;
	[smem:$0x7FA] =	sst s20  }
0x3b: {  	s30 =	sadd.s32 $0x1C00, s17;
	s12 =	simm.s32 $0x7880;
	[smem:$0x7FB] =	sst s21  }
0x3c: {  	s15 =	simm.s32 $0x7A00;
	s17 =	simm.s32 $0x7B00;
	[smem:$0x7FC] =	sst s30  }
0x3d: {  	s1 =	sadd.s32 s13, s28;
	s13 =	simm.s32 $0x7900;
	[smem:$0x7FD] =	sst s31  }
0x3e: {  	v0 =	vimm.f32 $0.0e+00;
	s19 =	simm.s32 $0x1000;
	s20 =	simm.s32 $0x2800;
	s21 =	simm.s32 $0x50  }
.LBB2_1:
0x3f: {  	s24 =	simm.s32 $0x0;
	s30 =	simm.s32 $0x200  }
.LBB2_2:
0x40: {  	p1 =	sne.s32 s30, $0x9E00;
	[tilespmem:s24+$0x5000] =	vst v0  }
0x41: {  	[tilespmem:s24+$0x0] =	vst v0  }
0x42: {  	[tilespmem:s24+$0x10] =	vst v0  }
0x43: {  	[tilespmem:s24+$0x20] =	vst v0  }
.Ltmp0:
0x44: {  	[tilespmem:s24+$0x30] =	vst v0;
	(pc) =	sbr.rel @p1 .LBB2_2-.Ltmp0, $4  }
0x45: {  	[tilespmem:s24+$0x40] =	vst v0  }
0x46: {  	[tilespmem:s24+$0x50] =	vst v0  }
0x47: {  	[tilespmem:s24+$0x60] =	vst v0  }
0x48: {  	[tilespmem:s24+$0x70] =	vst v0;
	s24 =	sshra.s32 s30, $0x2;
	s30 =	sadd.s32 $0x200, s30  }
0x49: {  	[tilespmem:s24+$0x5000] =	vst v0  }
0x4a: {  	[tilespmem:s24+$0x0] =	vst v0  }
0x4b: {  	[tilespmem:s24+$0x10] =	vst v0  }
0x4c: {  	[tilespmem:s24+$0x20] =	vst v0  }
0x4d: {  	[tilespmem:s24+$0x30] =	vst v0  }
0x4e: {  	[tilespmem:s24+$0x40] =	vst v0  }
0x4f: {  	[tilespmem:s24+$0x50] =	vst v0  }
0x50: {  	[tilespmem:s24+$0x60] =	vst v0  }
0x51: {  	[tilespmem:s24+$0x70] =	vst v0  }
0x52: {  	[spmem:s0] =	stream.linear.scatter [tilespmem:s22], [sflag:$0x1], $0x2800, $0x38;
	[tilespmem:$0x10400] =	vst v63  }
0x53: {  	_ =	swait.ge [sflag:s9], $0x2800  }
0x54: {  	[sflag:s9] =	ssyncset.done $0x0  }
0x55: {  	s3 =	rddreg [dreg:$0x1f];
	[sflag:s9] =	ssyncadd.s32 $0xFFFFD800  }
0x56: {  	[spmem:s3] =	stream.linear.scatter [tilespmem:s22], [sflag:$0x1], $0x1800, $0x38;
	[tilespmem:$0x10400] =	vst v63  }
0x57: {  	_ =	swait.ge [sflag:s9], $0x1800  }
0x58: {  	[sflag:s9] =	ssyncset.done $0x0  }
0x59: {  	[sflag:s9] =	ssyncadd.s32 $0xFFFFE800  }
0x5a: {  	[spmem:s1] =	stream.linear.scatter [tilespmem:s22], [sflag:$0x1], $0x2800, $0x38;
	[tilespmem:$0x10400] =	vst v63  }
0x5b: {  	_ =	swait.ge [sflag:s9], $0x2800  }
0x5c: {  	s31 =	sld [smem:$0x7FA]  }
0x5d: {  	[sflag:s9] =	ssyncset.done $0x0  }
0x5e: {  	[sflag:s9] =	ssyncadd.s32 $0xFFFFD800  }
0x5f: {  	[spmem:s31] =	stream.linear.scatter [tilespmem:s22], [sflag:$0x1], $0x1800, $0x38;
	[tilespmem:$0x10400] =	vst v63  }
0x60: {  	_ =	swait.ge [sflag:s9], $0x1800  }
0x61: {  	[sflag:s9] =	ssyncset.done $0x0  }
0x62: {  	[sflag:s9] =	ssyncadd.s32 $0xFFFFE800  }
0x63: {  	[spmem:s2] =	stream.linear.scatter [tilespmem:s10], [sflag:$0x1], $0x2800, $0x38;
	[tilespmem:$0x10400] =	vst v63  }
0x64: {  	_ =	swait.ge [sflag:s9], $0x2800  }
0x65: {  	s4 =	sld [smem:$0x7FB]  }
0x66: {  	[sflag:s9] =	ssyncset.done $0x0  }
0x67: {  	[sflag:s9] =	ssyncadd.s32 $0xFFFFD800  }
0x68: {  	[spmem:s4] =	stream.linear.scatter [tilespmem:s10], [sflag:$0x1], $0x1800, $0x38;
	[tilespmem:$0x10400] =	vst v63  }
0x69: {  	_ =	swait.ge [sflag:s9], $0x1800  }
0x6a: {  	[sflag:s9] =	ssyncset.done $0x0  }
0x6b: {  	[sflag:s9] =	ssyncadd.s32 $0xFFFFE800  }
0x6c: {  	[bflag:$0x0] =	sbarrier.arrive $0xFFFF  }
0x6d: {  	[tilespmem:s11], [sflag:$0x1] =	stream.linear.gather [hbm4b:s6+s22], $0x80, $0x38;
	[tilespmem:$0x10400] =	vst v63  }
0x6e: {  	_ =	swait.ge [sflag:s9], $0x80  }
0x6f: {  	[sflag:s9] =	ssyncset.done $0x0  }
0x70: {  	s5 =	rddreg [dreg:$0x7];
	[sflag:s9] =	ssyncadd.s32 $0xFFFFFF80  }
0x71: {  	[tilespmem:s12], [sflag:$0x1] =	stream.linear.gather [hbm4b:s5+s22], $0x80, $0x38;
	[tilespmem:$0x10400] =	vst v63  }
0x72: {  	_ =	swait.ge [sflag:s9], $0x80  }
0x73: {  	[sflag:s9] =	ssyncset.done $0x0  }
0x74: {  	s7 =	rddreg [dreg:$0x8];
	[sflag:s9] =	ssyncadd.s32 $0xFFFFFF80  }
0x75: {  	[tilespmem:s13], [sflag:$0x1] =	stream.linear.gather [hbm4b:s7+s22], $0x80, $0x38;
	[tilespmem:$0x10400] =	vst v63  }
0x76: {  	_ =	swait.ge [sflag:s9], $0x80  }
0x77: {  	[sflag:s9] =	ssyncset.done $0x0  }
0x78: {  	s24 =	rddreg [dreg:$0x9];
	[sflag:s9] =	ssyncadd.s32 $0xFFFFFF80  }
0x79: {  	[tilespmem:s14], [sflag:$0x1] =	stream.linear.gather [hbm4b:s24+s22], $0x80, $0x38;
	[tilespmem:$0x10400] =	vst v63  }
0x7a: {  	_ =	swait.ge [sflag:s9], $0x80  }
0x7b: {  	[sflag:s9] =	ssyncset.done $0x0  }
0x7c: {  	s30 =	rddreg [dreg:$0xa];
	[sflag:s9] =	ssyncadd.s32 $0xFFFFFF80  }
0x7d: {  	[tilespmem:s15], [sflag:$0x1] =	stream.linear.gather [hbm4b:s30+s22], $0x80, $0x38;
	[tilespmem:$0x10400] =	vst v63  }
0x7e: {  	_ =	swait.ge [sflag:s9], $0x80  }
0x7f: {  	[sflag:s9] =	ssyncset.done $0x0  }
0x80: {  	s31 =	rddreg [dreg:$0xb];
	[sflag:s9] =	ssyncadd.s32 $0xFFFFFF80  }
0x81: {  	[tilespmem:s16], [sflag:$0x1] =	stream.linear.gather [hbm4b:s31+s22], $0x80, $0x38;
	[tilespmem:$0x10400] =	vst v63  }
0x82: {  	_ =	swait.ge [sflag:s9], $0x80  }
0x83: {  	[sflag:s9] =	ssyncset.done $0x0  }
0x84: {  	s4 =	rddreg [dreg:$0xc];
	[sflag:s9] =	ssyncadd.s32 $0xFFFFFF80  }
0x85: {  	[tilespmem:s17], [sflag:$0x1] =	stream.linear.gather [hbm4b:s4+s22], $0x80, $0x38;
	[tilespmem:$0x10400] =	vst v63  }
0x86: {  	_ =	swait.ge [sflag:s9], $0x80  }
0x87: {  	s24 =	simm.s32 @!p0 $0x1;
	[sflag:s9] =	ssyncset.done $0x0  }
0x88: {  	s30 =	simm.s32 @!p0 $0x7B80;
	s31 =	simm.s32 @!p0 $0x0;
	[sflag:s9] =	ssyncadd.s32 $0xFFFFFF80  }
0x89: {  	[tilespmem:s30], [sflag:$0x1] =	stream.linear.gather @!p0 [hbm4b:s8+s31], $0x80, $0x38;
	[tilespmem:$0x10400] =	vst v63  }
0x8a: {  	_ =	swait.ge @!p0 [sflag:s24], $0x80  }
0x8b: {  	[sflag:s24] =	ssyncset.done @!p0 $0x0  }
0x8c: {  	s5 =	rddreg [dreg:$0xd];
	[sflag:s24] =	ssyncadd.s32 @!p0 $0xFFFFFF80  }
0x8d: {  	[tilespmem:s22], [sflag:$0x1] =	stream.strided.gather [hbm4b:s5+s18], $0x2800, s19, s18, $0x38;
	[tilespmem:$0x10400] =	vst v63  }
0x8e: {  	_ =	swait.ge [sflag:s9], $0x2800  }
0x8f: {  	[sflag:s9] =	ssyncset.done $0x0  }
0x90: {  	s7 =	rddreg [dreg:$0xe];
	[sflag:s9] =	ssyncadd.s32 $0xFFFFD800  }
0x91: {  	[tilespmem:s20], [sflag:$0x1] =	stream.strided.gather [hbm4b:s7+s18], $0x2800, s19, s18, $0x38;
	[tilespmem:$0x10400] =	vst v63  }
0x92: {  	_ =	swait.ge [sflag:s9], $0x2800  }
0x93: {  	[sflag:s9] =	ssyncset.done $0x0  }
0x94: {  	[sflag:s9] =	ssyncadd.s32 $0xFFFFD800  }
0x95: {  	[tilespmem:s10], [sflag:$0x1] =	stream.linear.gather [hbm4b:s26+s22], $0x2800, $0x38;
	[tilespmem:$0x10400] =	vst v63  }
0x96: {  	_ =	swait.ge [sflag:s9], $0x2800  }
0x97: {  	[sflag:s9] =	ssyncset.done $0x0  }
0x98: {  	[sflag:s9] =	ssyncadd.s32 $0xFFFFD800  }
0x99: {  	[spmem:s25] =	stream.indirect.scatter.add.f32 [tilespmem:s22], [sflag:$0x1], $0x80, s11, s21, $0xb8;
	[tilespmem:$0x10400] =	vst v63  }
0x9a: {  	_ =	swait.ge [sflag:s9], $0x2800  }
0x9b: {  	[sflag:s9] =	ssyncset.done $0x0  }
0x9c: {  	[sflag:s9] =	ssyncadd.s32 $0xFFFFD800  }
0x9d: {  	[spmem:s28] =	stream.indirect.scatter.add.f32 [tilespmem:s20], [sflag:$0x1], $0x80, s11, s21, $0xb8;
	[tilespmem:$0x10400] =	vst v63  }
0x9e: {  	_ =	swait.ge [sflag:s9], $0x2800  }
0x9f: {  	[sflag:s9] =	ssyncset.done $0x0  }
0xa0: {  	[sflag:s9] =	ssyncadd.s32 $0xFFFFD800  }
0xa1: {  	[spmem:s29] =	stream.indirect.scatter.add.f32 [tilespmem:s10], [sflag:$0x1], $0x10, s11, s21, $0xb8;
	[tilespmem:$0x10400] =	vst v63  }
0xa2: {  	_ =	swait.ge [sflag:s9], $0x500  }
0xa3: {  	[sflag:s9] =	ssyncset.done $0x0  }
0xa4: {  	s4 =	rddreg [dreg:$0xf];
	[sflag:s9] =	ssyncadd.s32 $0xFFFFFB00  }
0xa5: {  	[tilespmem:s22], [sflag:$0x1] =	stream.strided.gather [hbm4b:s4+s18], $0x2800, s19, s18, $0x38;
	[tilespmem:$0x10400] =	vst v63  }
0xa6: {  	_ =	swait.ge [sflag:s9], $0x2800  }
0xa7: {  	[sflag:s9] =	ssyncset.done $0x0  }
0xa8: {  	s5 =	rddreg [dreg:$0x10];
	[sflag:s9] =	ssyncadd.s32 $0xFFFFD800  }
0xa9: {  	[tilespmem:s20], [sflag:$0x1] =	stream.strided.gather [hbm4b:s5+s18], $0x2800, s19, s18, $0x38;
	[tilespmem:$0x10400] =	vst v63  }
0xaa: {  	_ =	swait.ge [sflag:s9], $0x2800  }
0xab: {  	[sflag:s9] =	ssyncset.done $0x0  }
0xac: {  	[sflag:s9] =	ssyncadd.s32 $0xFFFFD800  }
0xad: {  	[tilespmem:s10], [sflag:$0x1] =	stream.linear.gather [hbm4b:s26+s22], $0x2800, $0x38;
	[tilespmem:$0x10400] =	vst v63  }
0xae: {  	_ =	swait.ge [sflag:s9], $0x2800  }
0xaf: {  	[sflag:s9] =	ssyncset.done $0x0  }
0xb0: {  	[sflag:s9] =	ssyncadd.s32 $0xFFFFD800  }
0xb1: {  	[spmem:s25] =	stream.indirect.scatter.add.f32 [tilespmem:s22], [sflag:$0x1], $0x80, s12, s21, $0xb8;
	[tilespmem:$0x10400] =	vst v63  }
0xb2: {  	_ =	swait.ge [sflag:s9], $0x2800  }
0xb3: {  	[sflag:s9] =	ssyncset.done $0x0  }
0xb4: {  	[sflag:s9] =	ssyncadd.s32 $0xFFFFD800  }
0xb5: {  	[spmem:s28] =	stream.indirect.scatter.add.f32 [tilespmem:s20], [sflag:$0x1], $0x80, s12, s21, $0xb8;
	[tilespmem:$0x10400] =	vst v63  }
0xb6: {  	_ =	swait.ge [sflag:s9], $0x2800  }
0xb7: {  	[sflag:s9] =	ssyncset.done $0x0  }
0xb8: {  	[sflag:s9] =	ssyncadd.s32 $0xFFFFD800  }
0xb9: {  	[spmem:s29] =	stream.indirect.scatter.add.f32 [tilespmem:s10], [sflag:$0x1], $0x10, s12, s21, $0xb8;
	[tilespmem:$0x10400] =	vst v63  }
0xba: {  	_ =	swait.ge [sflag:s9], $0x500  }
0xbb: {  	[sflag:s9] =	ssyncset.done $0x0  }
0xbc: {  	s7 =	rddreg [dreg:$0x11];
	[sflag:s9] =	ssyncadd.s32 $0xFFFFFB00  }
0xbd: {  	[tilespmem:s22], [sflag:$0x1] =	stream.strided.gather [hbm4b:s7+s18], $0x2800, s19, s18, $0x38;
	[tilespmem:$0x10400] =	vst v63  }
0xbe: {  	_ =	swait.ge [sflag:s9], $0x2800  }
0xbf: {  	[sflag:s9] =	ssyncset.done $0x0  }
0xc0: {  	s4 =	rddreg [dreg:$0x12];
	[sflag:s9] =	ssyncadd.s32 $0xFFFFD800  }
0xc1: {  	[tilespmem:s20], [sflag:$0x1] =	stream.strided.gather [hbm4b:s4+s18], $0x2800, s19, s18, $0x38;
	[tilespmem:$0x10400] =	vst v63  }
0xc2: {  	_ =	swait.ge [sflag:s9], $0x2800  }
0xc3: {  	[sflag:s9] =	ssyncset.done $0x0  }
0xc4: {  	[sflag:s9] =	ssyncadd.s32 $0xFFFFD800  }
0xc5: {  	[tilespmem:s10], [sflag:$0x1] =	stream.linear.gather [hbm4b:s26+s22], $0x2800, $0x38;
	[tilespmem:$0x10400] =	vst v63  }
0xc6: {  	_ =	swait.ge [sflag:s9], $0x2800  }
0xc7: {  	[sflag:s9] =	ssyncset.done $0x0  }
0xc8: {  	[sflag:s9] =	ssyncadd.s32 $0xFFFFD800  }
0xc9: {  	[spmem:s25] =	stream.indirect.scatter.add.f32 [tilespmem:s22], [sflag:$0x1], $0x80, s13, s21, $0xb8;
	[tilespmem:$0x10400] =	vst v63  }
0xca: {  	_ =	swait.ge [sflag:s9], $0x2800  }
0xcb: {  	[sflag:s9] =	ssyncset.done $0x0  }
0xcc: {  	[sflag:s9] =	ssyncadd.s32 $0xFFFFD800  }
0xcd: {  	[spmem:s28] =	stream.indirect.scatter.add.f32 [tilespmem:s20], [sflag:$0x1], $0x80, s13, s21, $0xb8;
	[tilespmem:$0x10400] =	vst v63  }
0xce: {  	_ =	swait.ge [sflag:s9], $0x2800  }
0xcf: {  	[sflag:s9] =	ssyncset.done $0x0  }
0xd0: {  	[sflag:s9] =	ssyncadd.s32 $0xFFFFD800  }
0xd1: {  	[spmem:s29] =	stream.indirect.scatter.add.f32 [tilespmem:s10], [sflag:$0x1], $0x10, s13, s21, $0xb8;
	[tilespmem:$0x10400] =	vst v63  }
0xd2: {  	_ =	swait.ge [sflag:s9], $0x500  }
0xd3: {  	[sflag:s9] =	ssyncset.done $0x0  }
0xd4: {  	s5 =	rddreg [dreg:$0x13];
	[sflag:s9] =	ssyncadd.s32 $0xFFFFFB00  }
0xd5: {  	[tilespmem:s22], [sflag:$0x1] =	stream.strided.gather [hbm4b:s5+s18], $0x2800, s19, s18, $0x38;
	[tilespmem:$0x10400] =	vst v63  }
0xd6: {  	_ =	swait.ge [sflag:s9], $0x2800  }
0xd7: {  	[sflag:s9] =	ssyncset.done $0x0  }
0xd8: {  	s7 =	rddreg [dreg:$0x14];
	[sflag:s9] =	ssyncadd.s32 $0xFFFFD800  }
0xd9: {  	[tilespmem:s20], [sflag:$0x1] =	stream.strided.gather [hbm4b:s7+s18], $0x2800, s19, s18, $0x38;
	[tilespmem:$0x10400] =	vst v63  }
0xda: {  	_ =	swait.ge [sflag:s9], $0x2800  }
0xdb: {  	[sflag:s9] =	ssyncset.done $0x0  }
0xdc: {  	[sflag:s9] =	ssyncadd.s32 $0xFFFFD800  }
0xdd: {  	[tilespmem:s10], [sflag:$0x1] =	stream.linear.gather [hbm4b:s26+s22], $0x2800, $0x38;
	[tilespmem:$0x10400] =	vst v63  }
0xde: {  	_ =	swait.ge [sflag:s9], $0x2800  }
0xdf: {  	[sflag:s9] =	ssyncset.done $0x0  }
0xe0: {  	[sflag:s9] =	ssyncadd.s32 $0xFFFFD800  }
0xe1: {  	[spmem:s25] =	stream.indirect.scatter.add.f32 [tilespmem:s22], [sflag:$0x1], $0x80, s14, s21, $0xb8;
	[tilespmem:$0x10400] =	vst v63  }
0xe2: {  	_ =	swait.ge [sflag:s9], $0x2800  }
0xe3: {  	[sflag:s9] =	ssyncset.done $0x0  }
0xe4: {  	[sflag:s9] =	ssyncadd.s32 $0xFFFFD800  }
0xe5: {  	[spmem:s28] =	stream.indirect.scatter.add.f32 [tilespmem:s20], [sflag:$0x1], $0x80, s14, s21, $0xb8;
	[tilespmem:$0x10400] =	vst v63  }
0xe6: {  	_ =	swait.ge [sflag:s9], $0x2800  }
0xe7: {  	[sflag:s9] =	ssyncset.done $0x0  }
0xe8: {  	[sflag:s9] =	ssyncadd.s32 $0xFFFFD800  }
0xe9: {  	[spmem:s29] =	stream.indirect.scatter.add.f32 [tilespmem:s10], [sflag:$0x1], $0x10, s14, s21, $0xb8;
	[tilespmem:$0x10400] =	vst v63  }
0xea: {  	_ =	swait.ge [sflag:s9], $0x500  }
0xeb: {  	[sflag:s9] =	ssyncset.done $0x0  }
0xec: {  	s4 =	rddreg [dreg:$0x15];
	[sflag:s9] =	ssyncadd.s32 $0xFFFFFB00  }
0xed: {  	[tilespmem:s22], [sflag:$0x1] =	stream.strided.gather [hbm4b:s4+s18], $0x2800, s19, s18, $0x38;
	[tilespmem:$0x10400] =	vst v63  }
0xee: {  	_ =	swait.ge [sflag:s9], $0x2800  }
0xef: {  	[sflag:s9] =	ssyncset.done $0x0  }
0xf0: {  	s5 =	rddreg [dreg:$0x16];
	[sflag:s9] =	ssyncadd.s32 $0xFFFFD800  }
0xf1: {  	[tilespmem:s20], [sflag:$0x1] =	stream.strided.gather [hbm4b:s5+s18], $0x2800, s19, s18, $0x38;
	[tilespmem:$0x10400] =	vst v63  }
0xf2: {  	_ =	swait.ge [sflag:s9], $0x2800  }
0xf3: {  	[sflag:s9] =	ssyncset.done $0x0  }
0xf4: {  	[sflag:s9] =	ssyncadd.s32 $0xFFFFD800  }
0xf5: {  	[tilespmem:s10], [sflag:$0x1] =	stream.linear.gather [hbm4b:s26+s22], $0x2800, $0x38;
	[tilespmem:$0x10400] =	vst v63  }
0xf6: {  	_ =	swait.ge [sflag:s9], $0x2800  }
0xf7: {  	[sflag:s9] =	ssyncset.done $0x0  }
0xf8: {  	[sflag:s9] =	ssyncadd.s32 $0xFFFFD800  }
0xf9: {  	[spmem:s25] =	stream.indirect.scatter.add.f32 [tilespmem:s22], [sflag:$0x1], $0x80, s15, s21, $0xb8;
	[tilespmem:$0x10400] =	vst v63  }
0xfa: {  	_ =	swait.ge [sflag:s9], $0x2800  }
0xfb: {  	[sflag:s9] =	ssyncset.done $0x0  }
0xfc: {  	[sflag:s9] =	ssyncadd.s32 $0xFFFFD800  }
0xfd: {  	[spmem:s28] =	stream.indirect.scatter.add.f32 [tilespmem:s20], [sflag:$0x1], $0x80, s15, s21, $0xb8;
	[tilespmem:$0x10400] =	vst v63  }
0xfe: {  	_ =	swait.ge [sflag:s9], $0x2800  }
0xff: {  	[sflag:s9] =	ssyncset.done $0x0  }
0x100: {  	[sflag:s9] =	ssyncadd.s32 $0xFFFFD800  }
0x101: {  	[spmem:s29] =	stream.indirect.scatter.add.f32 [tilespmem:s10], [sflag:$0x1], $0x10, s15, s21, $0xb8;
	[tilespmem:$0x10400] =	vst v63  }
0x102: {  	_ =	swait.ge [sflag:s9], $0x500  }
0x103: {  	[sflag:s9] =	ssyncset.done $0x0  }
0x104: {  	s7 =	rddreg [dreg:$0x17];
	[sflag:s9] =	ssyncadd.s32 $0xFFFFFB00  }
0x105: {  	[tilespmem:s22], [sflag:$0x1] =	stream.strided.gather [hbm4b:s7+s18], $0x2800, s19, s18, $0x38;
	[tilespmem:$0x10400] =	vst v63  }
0x106: {  	_ =	swait.ge [sflag:s9], $0x2800  }
0x107: {  	[sflag:s9] =	ssyncset.done $0x0  }
0x108: {  	s4 =	rddreg [dreg:$0x18];
	[sflag:s9] =	ssyncadd.s32 $0xFFFFD800  }
0x109: {  	[tilespmem:s20], [sflag:$0x1] =	stream.strided.gather [hbm4b:s4+s18], $0x2800, s19, s18, $0x38;
	[tilespmem:$0x10400] =	vst v63  }
0x10a: {  	_ =	swait.ge [sflag:s9], $0x2800  }
0x10b: {  	[sflag:s9] =	ssyncset.done $0x0  }
0x10c: {  	[sflag:s9] =	ssyncadd.s32 $0xFFFFD800  }
0x10d: {  	[tilespmem:s10], [sflag:$0x1] =	stream.linear.gather [hbm4b:s26+s22], $0x2800, $0x38;
	[tilespmem:$0x10400] =	vst v63  }
0x10e: {  	_ =	swait.ge [sflag:s9], $0x2800  }
0x10f: {  	[sflag:s9] =	ssyncset.done $0x0  }
0x110: {  	[sflag:s9] =	ssyncadd.s32 $0xFFFFD800  }
0x111: {  	[spmem:s25] =	stream.indirect.scatter.add.f32 [tilespmem:s22], [sflag:$0x1], $0x80, s16, s21, $0xb8;
	[tilespmem:$0x10400] =	vst v63  }
0x112: {  	_ =	swait.ge [sflag:s9], $0x2800  }
0x113: {  	[sflag:s9] =	ssyncset.done $0x0  }
0x114: {  	[sflag:s9] =	ssyncadd.s32 $0xFFFFD800  }
0x115: {  	[spmem:s28] =	stream.indirect.scatter.add.f32 [tilespmem:s20], [sflag:$0x1], $0x80, s16, s21, $0xb8;
	[tilespmem:$0x10400] =	vst v63  }
0x116: {  	_ =	swait.ge [sflag:s9], $0x2800  }
0x117: {  	[sflag:s9] =	ssyncset.done $0x0  }
0x118: {  	[sflag:s9] =	ssyncadd.s32 $0xFFFFD800  }
0x119: {  	[spmem:s29] =	stream.indirect.scatter.add.f32 [tilespmem:s10], [sflag:$0x1], $0x10, s16, s21, $0xb8;
	[tilespmem:$0x10400] =	vst v63  }
0x11a: {  	_ =	swait.ge [sflag:s9], $0x500  }
0x11b: {  	[sflag:s9] =	ssyncset.done $0x0  }
0x11c: {  	s5 =	rddreg [dreg:$0x19];
	[sflag:s9] =	ssyncadd.s32 $0xFFFFFB00  }
0x11d: {  	[tilespmem:s22], [sflag:$0x1] =	stream.strided.gather [hbm4b:s5+s18], $0x2800, s19, s18, $0x38;
	[tilespmem:$0x10400] =	vst v63  }
0x11e: {  	_ =	swait.ge [sflag:s9], $0x2800  }
0x11f: {  	[sflag:s9] =	ssyncset.done $0x0  }
0x120: {  	s7 =	rddreg [dreg:$0x1a];
	[sflag:s9] =	ssyncadd.s32 $0xFFFFD800  }
0x121: {  	[tilespmem:s20], [sflag:$0x1] =	stream.strided.gather [hbm4b:s7+s18], $0x2800, s19, s18, $0x38;
	[tilespmem:$0x10400] =	vst v63  }
0x122: {  	_ =	swait.ge [sflag:s9], $0x2800  }
0x123: {  	[sflag:s9] =	ssyncset.done $0x0  }
0x124: {  	[sflag:s9] =	ssyncadd.s32 $0xFFFFD800  }
0x125: {  	[tilespmem:s10], [sflag:$0x1] =	stream.linear.gather [hbm4b:s26+s22], $0x2800, $0x38;
	[tilespmem:$0x10400] =	vst v63  }
0x126: {  	_ =	swait.ge [sflag:s9], $0x2800  }
0x127: {  	[sflag:s9] =	ssyncset.done $0x0  }
0x128: {  	[sflag:s9] =	ssyncadd.s32 $0xFFFFD800  }
0x129: {  	[spmem:s25] =	stream.indirect.scatter.add.f32 [tilespmem:s22], [sflag:$0x1], $0x80, s17, s21, $0xb8;
	[tilespmem:$0x10400] =	vst v63  }
0x12a: {  	_ =	swait.ge [sflag:s9], $0x2800  }
0x12b: {  	[sflag:s9] =	ssyncset.done $0x0  }
0x12c: {  	[sflag:s9] =	ssyncadd.s32 $0xFFFFD800  }
0x12d: {  	[spmem:s28] =	stream.indirect.scatter.add.f32 [tilespmem:s20], [sflag:$0x1], $0x80, s17, s21, $0xb8;
	[tilespmem:$0x10400] =	vst v63  }
0x12e: {  	_ =	swait.ge [sflag:s9], $0x2800  }
0x12f: {  	[sflag:s9] =	ssyncset.done $0x0  }
0x130: {  	[sflag:s9] =	ssyncadd.s32 $0xFFFFD800  }
0x131: {  	[spmem:s29] =	stream.indirect.scatter.add.f32 [tilespmem:s10], [sflag:$0x1], $0x10, s17, s21, $0xb8;
	[tilespmem:$0x10400] =	vst v63  }
0x132: {  	_ =	swait.ge [sflag:s9], $0x500  }
0x133: {  	s3 =	simm.s32 @!p0 $0x400;
	[sflag:s9] =	ssyncset.done $0x0  }
0x134: {  	s4 =	simm.s32 @!p0 $0x1000;
	s5 =	rddreg [dreg:$0x1b];
	[sflag:s9] =	ssyncadd.s32 $0xFFFFFB00  }
0x135: {  	[tilespmem:s31], [sflag:$0x1] =	stream.strided.gather @!p0 [hbm4b:s5+s3], $0x2800, s4, s3, $0x38;
	[tilespmem:$0x10400] =	vst v63  }
0x136: {  	_ =	swait.ge @!p0 [sflag:s24], $0x2800  }
0x137: {  	[sflag:s24] =	ssyncset.done @!p0 $0x0  }
0x138: {  	s5 =	simm.s32 @!p0 $0x2800;
	s7 =	rddreg [dreg:$0x1c];
	[sflag:s24] =	ssyncadd.s32 @!p0 $0xFFFFD800  }
0x139: {  	[tilespmem:s5], [sflag:$0x1] =	stream.strided.gather @!p0 [hbm4b:s7+s3], $0x2800, s4, s3, $0x38;
	[tilespmem:$0x10400] =	vst v63  }
0x13a: {  	_ =	swait.ge @!p0 [sflag:s24], $0x2800  }
0x13b: {  	[sflag:s24] =	ssyncset.done @!p0 $0x0  }
0x13c: {  	s3 =	simm.s32 @!p0 $0x5000;
	[sflag:s24] =	ssyncadd.s32 @!p0 $0xFFFFD800  }
0x13d: {  	[tilespmem:s3], [sflag:$0x1] =	stream.linear.gather @!p0 [hbm4b:s26+s31], $0x2800, $0x38;
	[tilespmem:$0x10400] =	vst v63  }
0x13e: {  	_ =	swait.ge @!p0 [sflag:s24], $0x2800  }
0x13f: {  	[sflag:s24] =	ssyncset.done @!p0 $0x0  }
0x140: {  	s4 =	simm.s32 @!p0 $0x50;
	[sflag:s24] =	ssyncadd.s32 @!p0 $0xFFFFD800  }
0x141: {  	[spmem:s25] =	stream.indirect.scatter.add.f32 @!p0 [tilespmem:s31], [sflag:$0x1], $0x80, s30, s4, $0xb8;
	[tilespmem:$0x10400] =	vst v63  }
0x142: {  	_ =	swait.ge @!p0 [sflag:s24], $0x2800  }
0x143: {  	[sflag:s24] =	ssyncset.done @!p0 $0x0  }
0x144: {  	[sflag:s24] =	ssyncadd.s32 @!p0 $0xFFFFD800  }
0x145: {  	[spmem:s28] =	stream.indirect.scatter.add.f32 @!p0 [tilespmem:s5], [sflag:$0x1], $0x80, s30, s4, $0xb8;
	[tilespmem:$0x10400] =	vst v63  }
0x146: {  	_ =	swait.ge @!p0 [sflag:s24], $0x2800  }
0x147: {  	[sflag:s24] =	ssyncset.done @!p0 $0x0  }
0x148: {  	[sflag:s24] =	ssyncadd.s32 @!p0 $0xFFFFD800  }
0x149: {  	[spmem:s29] =	stream.indirect.scatter.add.f32 @!p0 [tilespmem:s3], [sflag:$0x1], $0x10, s30, s4, $0xb8;
	[tilespmem:$0x10400] =	vst v63  }
0x14a: {  	_ =	swait.ge @!p0 [sflag:s24], $0x500  }
0x14b: {  	[sflag:s24] =	ssyncset.done @!p0 $0x0  }
0x14c: {  	[sflag:s24] =	ssyncadd.s32 @!p0 $0xFFFFFB00;
	s24 =	stileid.u32  }
0x14d: {  	s3 =	sshll.u32 s24, $0x6;
	[bflag:$0x0] =	sbarrier.arrive $0xFFFF  }
0x14e: {  	s30 =	sshrl.u32 s0, $0x3;
	s3 =	sor.u32 $0x1C01, s3;
	s31 =	rddreg [dreg:$0x1d]  }
0x14f: {  	[hbm:s31], [sflag:s3] =	dma.local [spmem:s30], $0x800  }
0x150: {  	_ =	swait.ge [sflag:s9], $0x800  }
0x151: {  	[sflag:s9] =	ssyncset.done $0x0  }
0x152: {  	s5 =	sshrl.u32 s1, $0x3;
	s7 =	rddreg [dreg:$0x1e];
	[sflag:s9] =	ssyncadd.s32 $0xFFFFF800  }
0x153: {  	[hbm:s7], [sflag:s3] =	dma.local [spmem:s5], $0x800  }
0x154: {  	_ =	swait.ge [sflag:s9], $0x800  }
0x155: {  	s30 =	sld [smem:$0x7FC]  }
0x156: {  	[sflag:s9] =	ssyncset.done $0x0  }
0x157: {  	s24 =	sshrl.u32 s2, $0x3;
	[sflag:s9] =	ssyncadd.s32 $0xFFFFF800  }
0x158: {  	[hbm:s30], [sflag:s3] =	dma.local [spmem:s24], $0x800  }
0x159: {  	_ =	swait.ge [sflag:s9], $0x800  }
0x15a: {  	s31 =	sld [smem:$0x7FD];
	_ =	sdelay $0x1  }
0x15b: {  	s23 =	sadd.s32 $0x1, s23  }
0x15c: {  	p1 =	sne.s32 s23, s31  }
.Ltmp1:
0x15d: {  	_ = 	snop;
	(pc) =	sbr.rel @p1 .LBB2_1-.Ltmp1, $3  }
0x15e: {  	_ =	sdelay $0x1  }
0x15f: {  	[sflag:s9] =	ssyncset.done $0x0  }
0x160: {  	[sflag:s9] =	ssyncadd.s32 $0xFFFFF800  }
0x161: {  	_ =	sfence.sel $0x180000  }
0x162: {  	[bflag:$0x0] =	sbarrier.arrive $0xFFFF  }
0x163: {  	_ =	strace $0x90000047  }
0x164: {  	s0 =	stileid.u32;
	[bflag:$0x2] =	sbarrier.arrive $0xFFFF  }
0x165: {  	p0 =	sne.s32 s0, $0x0;
	s0 =	rddreg [dreg:$0x6]  }
0x166: {  	s0 =	sadd.s32 @!p0 $0x100000, s0  }
0x167: {  	[sflag:s0] =	ssyncadd.tile.s32 @!p0 $0x1;
	_ =	shalt  }
.Lfunc_end2:
_tile_overlayer_lowered:
.L_overlay_start_2:
0x168: {  	(tag) =	ssettag $0x2  }
0x169: {  	s0 =	rddreg [dreg:$0x0];
	s2 =	stileid.u32  }
0x16a: {  	s1 =	rddreg [dreg:$0x1];
	p0 =	sne.s32 s2, $0x0  }
0x16b: {  	s3 =	rddreg [dreg:$0x2];
	[bflag:$0x3] =	sbarrier.arrive $0xFFFF;
	s2 =	simm.s32 @!p0 $0x1C01  }
0x16c: {  	[timem:s3], [sflag:s2] =	dma.local @!p0 [hbm:s0], s1  }
0x16d: {  	s0 =	simm.s32 @!p0 $0x1  }
0x16e: {  	_ =	swait.ge @!p0 [sflag:s0], s1  }
0x16f: {  	s1 =	ssub.s32 @!p0 $0x0, s1;
	[sflag:s0] =	ssyncset.done @!p0 $0x0  }
0x170: {  	[sflag:s0] =	ssyncadd.s32 @!p0 s1  }
0x171: {  	[bflag:$0x3] =	sbarrier.arrive $0xFFFF  }
0x172: {  	_ =	shalt  }

</sc_bundles>
